<compile_context>
chip_gen: v7x
topology: tpu7x:2x2x1
jax: 0.10.2.dev20260603
libtpu: 0.0.44.dev20260713+nightly
codegen_flags: <defaults>
</compile_context>

<pallas_src>
import functools

import jax
import jax.numpy as jnp
from jax import lax
from jax.experimental import pallas as pl
from jax.experimental.pallas import tpu as pltpu
from jax.experimental.pallas import tpu_sc as plsc

_N_NODES = 10000
_N_EDGES = 320000
_NC = 2
_NS = 16
_NW = _NC * _NS
_E_W = 9984
_TAIL = _N_EDGES - _NW * _E_W
_CHUNK = 1664
_NCHUNKS = _E_W // _CHUNK
_CVECS = _CHUNK // 16
_AR = 80
_NPAD = _AR * 128


_UROWS = 80
_UPAD = _UROWS * 128


def _sc_partials(xflat, ei, attr_t):
    mesh = plsc.VectorSubcoreMesh(
        core_axis_name="c", subcore_axis_name="s",
        num_cores=_NC, num_subcores=_NS)

    @functools.partial(
        pl.kernel,
        mesh=mesh,
        out_type=jax.ShapeDtypeStruct((_NC, 3, _AR, 128), jnp.float32),
        compiler_params=pltpu.CompilerParams(needs_layout_passes=False),
        scratch_types=[
            pltpu.VMEM((_UPAD,), jnp.float32),
            pltpu.VMEM((5, 128), jnp.int32),
            pltpu.VMEM_SHARED((_UPAD,), jnp.float32),
            pltpu.VMEM((2, _CHUNK), jnp.int32),
            pltpu.VMEM((2, _CHUNK), jnp.int32),
            pltpu.VMEM((4, _CHUNK), jnp.float32),
            pltpu.VMEM((4, _CHUNK), jnp.float32),
            pltpu.VMEM((_AR, 128), jnp.float32),
            pltpu.VMEM((_AR, 128), jnp.float32),
            pltpu.VMEM((_AR, 128), jnp.float32),
            pltpu.VMEM((1, _AR), jnp.int32),
            pltpu.VMEM_SHARED((_AR, 128), jnp.float32),
            pltpu.VMEM_SHARED((_AR, 128), jnp.float32),
            pltpu.VMEM_SHARED((_AR, 128), jnp.float32),
            pltpu.SemaphoreType.DMA,
            pltpu.SemaphoreType.DMA,
            pltpu.SemaphoreType.DMA,
        ],
    )
    def k(xf_hbm, ei_hbm, at_hbm, out_hbm,
          u_v, uidx_v, u_sh, ei0, ei1, at0, at1, accx, accy, accc, rows_v,
          shx, shy, shc, sem_s, sem_a, sem_b):
        cid = lax.axis_index("c")
        sid = lax.axis_index("s")
        w = cid * _NS + sid
        base = w * _E_W

        iota16 = lax.iota(jnp.int32, 16)

        for m in range(5):
            for j8 in range(8):
                n = (sid * 5 + m) * 128 + j8 * 16 + iota16
                n = jnp.minimum(n, _N_NODES - 1)
                uidx_v[m, pl.ds(j8 * 16, 16)] = n * 128

        ei_bufs = (ei0, ei1)
        at_bufs = (at0, at1)
        sems = (sem_a, sem_b)

        def start_chunk(j, slot):
            st = pl.multiple_of(base + j * _CHUNK, 128)
            de = pltpu.async_copy(
                ei_hbm.at[:, pl.ds(st, _CHUNK)], ei_bufs[slot], sems[slot])
            da = pltpu.async_copy(
                at_hbm.at[:, pl.ds(st, _CHUNK)], at_bufs[slot], sems[slot])
            return de, da

        def wait_chunk(slot):
            pltpu.make_async_copy(
                ei_hbm.at[:, pl.ds(0, _CHUNK)], ei_bufs[slot],
                sems[slot]).wait()
            pltpu.make_async_copy(
                at_hbm.at[:, pl.ds(0, _CHUNK)], at_bufs[slot],
                sems[slot]).wait()

        start_chunk(0, 0)

        ubase = sid * 5 * 128
        ugs = [
            pltpu.async_copy(
                xf_hbm.at[uidx_v.at[m]],
                u_v.at[pl.ds(ubase + m * 128, 128)], sem_s)
            for m in range(5)
        ]

        for kk in range(_AR // 16):
            rows_v[0, pl.ds(kk * 16, 16)] = iota16 + (kk * 16)

        z16 = jnp.zeros((16,), jnp.float32)

        @plsc.parallel_loop(0, _AR * 8, unroll=8)
        def _(i):
            r = lax.shift_right_logical(i, 3)
            o = lax.bitwise_and(i, 7) * 16
            accx[r, pl.ds(o, 16)] = z16
            accy[r, pl.ds(o, 16)] = z16
            accc[r, pl.ds(o, 16)] = z16

        @pl.when(sid == 0)
        def _():
            pltpu.sync_copy(accx, shx)
            pltpu.sync_copy(accy, shy)
            pltpu.sync_copy(accc, shc)

        for d in ugs:
            d.wait()
        pltpu.sync_copy(u_v.at[pl.ds(ubase, 640)], u_sh.at[pl.ds(ubase, 640)])
        plsc.subcore_barrier()
        pltpu.sync_copy(u_sh, u_v)

        ones_f = jnp.ones((16,), jnp.float32)

        def process(eib, atb, nvecs):
            @plsc.parallel_loop(0, nvecs, unroll=8)
            def _(i):
                off = pl.multiple_of(i * 16, 16)
                ids = eib[0, pl.ds(off, 16)]
                idd = eib[1, pl.ds(off, 16)]
                us = plsc.load_gather(u_v, [ids])
                ud = plsc.load_gather(u_v, [idd])
                du = ud - us
                a0 = atb[0, pl.ds(off, 16)]
                a1 = atb[1, pl.ds(off, 16)]
                r = lax.shift_right_logical(idd, 7)
                c = lax.bitwise_and(idd, 127)
                plsc.addupdate_scatter(accx, [r, c], du / a0)
                plsc.addupdate_scatter(accy, [r, c], du / a1)
                plsc.addupdate_scatter(accc, [r, c], ones_f)

        start_chunk(1, 1)

        @pl.loop(0, _NCHUNKS // 2)
        def _(j):
            for b in range(2):
                cidx = j * 2 + b
                wait_chunk(b)
                process(ei_bufs[b], at_bufs[b], _CVECS)

                @pl.when(cidx + 2 < _NCHUNKS)
                def _():
                    start_chunk(cidx + 2, b)

        @pl.when(w == _NW - 1)
        def _():
            st = _NW * _E_W
            pltpu.sync_copy(ei_hbm.at[:, pl.ds(st, _TAIL)],
                            ei0.at[:, pl.ds(0, _TAIL)])
            pltpu.sync_copy(at_hbm.at[:, pl.ds(st, _TAIL)],
                            at0.at[:, pl.ds(0, _TAIL)])
            process(ei0, at0, _TAIL // 16)

        pltpu.sync_copy(accx, shx.at[rows_v.at[0]], add=True)
        pltpu.sync_copy(accy, shy.at[rows_v.at[0]], add=True)
        pltpu.sync_copy(accc, shc.at[rows_v.at[0]], add=True)

        plsc.subcore_barrier()

        @pl.when(sid == 0)
        def _():
            pltpu.sync_copy(shx, out_hbm.at[cid, 0])
            pltpu.sync_copy(shy, out_hbm.at[cid, 1])
            pltpu.sync_copy(shc, out_hbm.at[cid, 2])

    return k(xflat, ei, attr_t)


def _combine(parts):
    def ck(p_ref, o_ref):
        p = p_ref[...]
        s = p[0] + p[1]
        num = s[0:2].reshape(2, _NPAD)
        cnt = jnp.maximum(s[2].reshape(1, _NPAD), 1.0)
        o_ref[...] = (num / cnt)[:, :_N_NODES]

    return pl.pallas_call(
        ck,
        out_shape=jax.ShapeDtypeStruct((2, _N_NODES), jnp.float32),
    )(parts)


def kernel(x, edge_index, edge_attr):
    parts = _sc_partials(x.reshape(-1), edge_index, edge_attr.T)
    o = _combine(parts)
    return o.T

# --- scband reference (transcript-rebuilt; emitter-appended) ---
"""Pipeline reference for scband-nabla2-doperator-51273319580077 (READ-ONLY COPY).

The authoritative reference and input builder live on the scoring server;
editing this copy changes nothing except your own understanding.
"""

import jax, jax.numpy as jnp
import numpy as np

N_NODES = 10000
N_EDGES = 320000
D_FEAT = 128
D_EDGE = 4


def setup_inputs(seed: int = 0) -> dict:
    key = jax.random.key(seed)
    k1, k2, k3 = jax.random.split(key, 3)
    x = jax.random.normal(k1, (N_NODES, D_FEAT), dtype=jnp.float32)
    edge_index = jax.random.randint(k2, (2, N_EDGES), 0, N_NODES, dtype=jnp.int32)
    # edge_attr holds per-edge geometric quantities (e.g. dx, dy components).
    # Shift away from zero so the finite-difference division is well conditioned.
    edge_attr = jax.random.uniform(k3, (N_EDGES, D_EDGE), dtype=jnp.float32) * 0.9 + 0.1
    return {"x": x, "edge_index": edge_index, "edge_attr": edge_attr}


def _spatial_derivative(x, edge_index, edge_attr, index_derivative_node, index_derivative_edge):
    # SpatialDerivativeOperator: per-edge finite difference of the selected node
    # feature divided by the selected edge displacement component, then
    # scatter-mean aggregated onto the destination (receiver) nodes.
    src = edge_index[0]
    dst = edge_index[1]
    u = x[:, index_derivative_node]
    du = jnp.take(u, dst, axis=0) - jnp.take(u, src, axis=0)
    dpos = edge_attr[:, index_derivative_edge]
    per_edge = du / dpos
    num = jax.ops.segment_sum(per_edge, dst, num_segments=N_NODES)
    cnt = jax.ops.segment_sum(jnp.ones_like(per_edge), dst, num_segments=N_NODES)
    return num / jnp.clip(cnt, 1.0, None)


def reference(x, edge_index, edge_attr):
    # Nabla2DOperator.forward: derivative along x (edge component 0) and along y
    # (edge component 1), both w.r.t. node feature channel 0, concatenated.
    derivative_x = _spatial_derivative(x, edge_index, edge_attr, 0, 0)
    derivative_y = _spatial_derivative(x, edge_index, edge_attr, 0, 1)
    nabla2d = jnp.concatenate(
        (derivative_x.reshape((-1, 1)), derivative_y.reshape((-1, 1))), axis=1
    )
    return nabla2d

if __name__ == "__main__":
    import jax
    _d = setup_inputs()
    print(jax.jit(kernel)(*tuple(_d.values())))

</pallas_src>

<mosaic_0001>
#map = affine_map<(d0, d1) -> (0)>
#map1 = affine_map<(d0, d1) -> (0, 0)>
#map2 = affine_map<(d0, d1) -> (0, 0, 0, 0)>
module attributes {stable_mosaic.version = 14 : i64} {
  func.func @k(%arg0: i32, %arg1: i32, %arg2: memref<1280000xf32, #tpu.memory_space<hbm>>, %arg3: memref<2x320000xi32, #tpu.memory_space<hbm>>, %arg4: memref<4x320000xf32, #tpu.memory_space<hbm>>, %arg5: memref<2x3x80x128xf32, #tpu.memory_space<hbm>>, %arg6: memref<10240xf32, #tpu.memory_space<vmem>>, %arg7: memref<5x128xi32, #tpu.memory_space<vmem>>, %arg8: memref<10240xf32, #tpu.memory_space<vmem_shared>>, %arg9: memref<2x1664xi32, #tpu.memory_space<vmem>>, %arg10: memref<2x1664xi32, #tpu.memory_space<vmem>>, %arg11: memref<4x1664xf32, #tpu.memory_space<vmem>>, %arg12: memref<4x1664xf32, #tpu.memory_space<vmem>>, %arg13: memref<80x128xf32, #tpu.memory_space<vmem>>, %arg14: memref<80x128xf32, #tpu.memory_space<vmem>>, %arg15: memref<80x128xf32, #tpu.memory_space<vmem>>, %arg16: memref<1x80xi32, #tpu.memory_space<vmem>>, %arg17: memref<80x128xf32, #tpu.memory_space<vmem_shared>>, %arg18: memref<80x128xf32, #tpu.memory_space<vmem_shared>>, %arg19: memref<80x128xf32, #tpu.memory_space<vmem_shared>>, %arg20: memref<!tpu.dma_semaphore, #tpu.memory_space<semaphore_mem>>, %arg21: memref<!tpu.dma_semaphore, #tpu.memory_space<semaphore_mem>>, %arg22: memref<!tpu.dma_semaphore, #tpu.memory_space<semaphore_mem>>) attributes {dimension_semantics = [#tpu.dimension_semantics<core_parallel>, #tpu.dimension_semantics<subcore_parallel>], iteration_bounds = array<i64: 2, 16>, scalar_prefetch = 0 : i64, scratch_operands = 17 : i64, tpu.core_type = #tpu.core_type<sc_vector_subcore>, window_params = [{transform_indices = #map}, {transform_indices = #map1}, {transform_indices = #map1}, {transform_indices = #map2}]} {
    %mul3A = arith.constant 16 : i32
    %mul3A_0 = arith.muli %arg0, %mul3A : i32
    %add3A = arith.addi %mul3A_0, %arg1 : i32
    %mul3A_1 = arith.constant 9984 : i32
    %mul3A_2 = arith.muli %add3A, %mul3A_1 : i32
    %iota3A = tpu.iota {dimensions = array<i32: 0>} : vector<16xi32>
    %mul3A_3 = arith.constant 5 : i32
    %mul3A_4 = arith.muli %arg1, %mul3A_3 : i32
    %add3A_5 = arith.constant 0 : i32
    %add3A_6 = arith.addi %mul3A_4, %add3A_5 : i32
    %mul3A_7 = arith.constant 128 : i32
    %mul3A_8 = arith.muli %add3A_6, %mul3A_7 : i32
    %add3A_9 = arith.constant 0 : i32
    %add3A_10 = arith.addi %mul3A_8, %add3A_9 : i32
    %add3A_11 = vector.broadcast %add3A_10 : i32 to vector<16xi32>
    %add3A_12 = arith.addi %add3A_11, %iota3A : vector<16xi32>
    %min3A = arith.constant 9999 : i32
    %min3A_13 = vector.broadcast %min3A : i32 to vector<16xi32>
    %min3A_14 = arith.minsi %add3A_12, %min3A_13 : vector<16xi32>
    %mul3A_15 = arith.constant 128 : i32
    %mul3A_16 = vector.broadcast %mul3A_15 : i32 to vector<16xi32>
    %mul3A_17 = arith.muli %min3A_14, %mul3A_16 : vector<16xi32>
    %swap3A = arith.constant 0 : i32
    %swap3A_18 = arith.index_cast %swap3A : i32 to index
    %swap3A_19 = arith.constant 0 : index
    %swap3A_20 = tpu.vector_load %arg7[%swap3A_18, %swap3A_19] {strides = array<i32>} : memref<5x128xi32, #tpu.memory_space<vmem>>, vector<16xi32>,
    tpu.vector_store %arg7[%swap3A_18, %swap3A_19], %mul3A_17 {strides = array<i32>} : memref<5x128xi32, #tpu.memory_space<vmem>>, vector<16xi32>,
    %mul3A_21 = arith.constant 5 : i32
    %mul3A_22 = arith.muli %arg1, %mul3A_21 : i32
    %add3A_23 = arith.constant 0 : i32
    %add3A_24 = arith.addi %mul3A_22, %add3A_23 : i32
    %mul3A_25 = arith.constant 128 : i32
    %mul3A_26 = arith.muli %add3A_24, %mul3A_25 : i32
    %add3A_27 = arith.constant 16 : i32
    %add3A_28 = arith.addi %mul3A_26, %add3A_27 : i32
    %add3A_29 = vector.broadcast %add3A_28 : i32 to vector<16xi32>
    %add3A_30 = arith.addi %add3A_29, %iota3A : vector<16xi32>
    %min3A_31 = arith.constant 9999 : i32
    %min3A_32 = vector.broadcast %min3A_31 : i32 to vector<16xi32>
    %min3A_33 = arith.minsi %add3A_30, %min3A_32 : vector<16xi32>
    %mul3A_34 = arith.constant 128 : i32
    %mul3A_35 = vector.broadcast %mul3A_34 : i32 to vector<16xi32>
    %mul3A_36 = arith.muli %min3A_33, %mul3A_35 : vector<16xi32>
    %swap3A_37 = arith.constant 0 : i32
    %swap3A_38 = arith.index_cast %swap3A_37 : i32 to index
    %swap3A_39 = arith.constant 16 : index
    %swap3A_40 = tpu.vector_load %arg7[%swap3A_38, %swap3A_39] {strides = array<i32>} : memref<5x128xi32, #tpu.memory_space<vmem>>, vector<16xi32>,
    tpu.vector_store %arg7[%swap3A_38, %swap3A_39], %mul3A_36 {strides = array<i32>} : memref<5x128xi32, #tpu.memory_space<vmem>>, vector<16xi32>,
    %mul3A_41 = arith.constant 5 : i32
    %mul3A_42 = arith.muli %arg1, %mul3A_41 : i32
    %add3A_43 = arith.constant 0 : i32
    %add3A_44 = arith.addi %mul3A_42, %add3A_43 : i32
    %mul3A_45 = arith.constant 128 : i32
    %mul3A_46 = arith.muli %add3A_44, %mul3A_45 : i32
    %add3A_47 = arith.constant 32 : i32
    %add3A_48 = arith.addi %mul3A_46, %add3A_47 : i32
    %add3A_49 = vector.broadcast %add3A_48 : i32 to vector<16xi32>
    %add3A_50 = arith.addi %add3A_49, %iota3A : vector<16xi32>
    %min3A_51 = arith.constant 9999 : i32
    %min3A_52 = vector.broadcast %min3A_51 : i32 to vector<16xi32>
    %min3A_53 = arith.minsi %add3A_50, %min3A_52 : vector<16xi32>
    %mul3A_54 = arith.constant 128 : i32
    %mul3A_55 = vector.broadcast %mul3A_54 : i32 to vector<16xi32>
    %mul3A_56 = arith.muli %min3A_53, %mul3A_55 : vector<16xi32>
    %swap3A_57 = arith.constant 0 : i32
    %swap3A_58 = arith.index_cast %swap3A_57 : i32 to index
    %swap3A_59 = arith.constant 32 : index
    %swap3A_60 = tpu.vector_load %arg7[%swap3A_58, %swap3A_59] {strides = array<i32>} : memref<5x128xi32, #tpu.memory_space<vmem>>, vector<16xi32>,
    tpu.vector_store %arg7[%swap3A_58, %swap3A_59], %mul3A_56 {strides = array<i32>} : memref<5x128xi32, #tpu.memory_space<vmem>>, vector<16xi32>,
    %mul3A_61 = arith.constant 5 : i32
    %mul3A_62 = arith.muli %arg1, %mul3A_61 : i32
    %add3A_63 = arith.constant 0 : i32
    %add3A_64 = arith.addi %mul3A_62, %add3A_63 : i32
    %mul3A_65 = arith.constant 128 : i32
    %mul3A_66 = arith.muli %add3A_64, %mul3A_65 : i32
    %add3A_67 = arith.constant 48 : i32
    %add3A_68 = arith.addi %mul3A_66, %add3A_67 : i32
    %add3A_69 = vector.broadcast %add3A_68 : i32 to vector<16xi32>
    %add3A_70 = arith.addi %add3A_69, %iota3A : vector<16xi32>
    %min3A_71 = arith.constant 9999 : i32
    %min3A_72 = vector.broadcast %min3A_71 : i32 to vector<16xi32>
    %min3A_73 = arith.minsi %add3A_70, %min3A_72 : vector<16xi32>
    %mul3A_74 = arith.constant 128 : i32
    %mul3A_75 = vector.broadcast %mul3A_74 : i32 to vector<16xi32>
    %mul3A_76 = arith.muli %min3A_73, %mul3A_75 : vector<16xi32>
    %swap3A_77 = arith.constant 0 : i32
    %swap3A_78 = arith.index_cast %swap3A_77 : i32 to index
    %swap3A_79 = arith.constant 48 : index
    %swap3A_80 = tpu.vector_load %arg7[%swap3A_78, %swap3A_79] {strides = array<i32>} : memref<5x128xi32, #tpu.memory_space<vmem>>, vector<16xi32>,
    tpu.vector_store %arg7[%swap3A_78, %swap3A_79], %mul3A_76 {strides = array<i32>} : memref<5x128xi32, #tpu.memory_space<vmem>>, vector<16xi32>,
    %mul3A_81 = arith.constant 5 : i32
    %mul3A_82 = arith.muli %arg1, %mul3A_81 : i32
    %add3A_83 = arith.constant 0 : i32
    %add3A_84 = arith.addi %mul3A_82, %add3A_83 : i32
    %mul3A_85 = arith.constant 128 : i32
    %mul3A_86 = arith.muli %add3A_84, %mul3A_85 : i32
    %add3A_87 = arith.constant 64 : i32
    %add3A_88 = arith.addi %mul3A_86, %add3A_87 : i32
    %add3A_89 = vector.broadcast %add3A_88 : i32 to vector<16xi32>
    %add3A_90 = arith.addi %add3A_89, %iota3A : vector<16xi32>
    %min3A_91 = arith.constant 9999 : i32
    %min3A_92 = vector.broadcast %min3A_91 : i32 to vector<16xi32>
    %min3A_93 = arith.minsi %add3A_90, %min3A_92 : vector<16xi32>
    %mul3A_94 = arith.constant 128 : i32
    %mul3A_95 = vector.broadcast %mul3A_94 : i32 to vector<16xi32>
    %mul3A_96 = arith.muli %min3A_93, %mul3A_95 : vector<16xi32>
    %swap3A_97 = arith.constant 0 : i32
    %swap3A_98 = arith.index_cast %swap3A_97 : i32 to index
    %swap3A_99 = arith.constant 64 : index
    %swap3A_100 = tpu.vector_load %arg7[%swap3A_98, %swap3A_99] {strides = array<i32>} : memref<5x128xi32, #tpu.memory_space<vmem>>, vector<16xi32>,
    tpu.vector_store %arg7[%swap3A_98, %swap3A_99], %mul3A_96 {strides = array<i32>} : memref<5x128xi32, #tpu.memory_space<vmem>>, vector<16xi32>,
    %mul3A_101 = arith.constant 5 : i32
    %mul3A_102 = arith.muli %arg1, %mul3A_101 : i32
    %add3A_103 = arith.constant 0 : i32
    %add3A_104 = arith.addi %mul3A_102, %add3A_103 : i32
    %mul3A_105 = arith.constant 128 : i32
    %mul3A_106 = arith.muli %add3A_104, %mul3A_105 : i32
    %add3A_107 = arith.constant 80 : i32
    %add3A_108 = arith.addi %mul3A_106, %add3A_107 : i32
    %add3A_109 = vector.broadcast %add3A_108 : i32 to vector<16xi32>
    %add3A_110 = arith.addi %add3A_109, %iota3A : vector<16xi32>
    %min3A_111 = arith.constant 9999 : i32
    %min3A_112 = vector.broadcast %min3A_111 : i32 to vector<16xi32>
    %min3A_113 = arith.minsi %add3A_110, %min3A_112 : vector<16xi32>
    %mul3A_114 = arith.constant 128 : i32
    %mul3A_115 = vector.broadcast %mul3A_114 : i32 to vector<16xi32>
    %mul3A_116 = arith.muli %min3A_113, %mul3A_115 : vector<16xi32>
    %swap3A_117 = arith.constant 0 : i32
    %swap3A_118 = arith.index_cast %swap3A_117 : i32 to index
    %swap3A_119 = arith.constant 80 : index
    %swap3A_120 = tpu.vector_load %arg7[%swap3A_118, %swap3A_119] {strides = array<i32>} : memref<5x128xi32, #tpu.memory_space<vmem>>, vector<16xi32>,
    tpu.vector_store %arg7[%swap3A_118, %swap3A_119], %mul3A_116 {strides = array<i32>} : memref<5x128xi32, #tpu.memory_space<vmem>>, vector<16xi32>,
    %mul3A_121 = arith.constant 5 : i32
    %mul3A_122 = arith.muli %arg1, %mul3A_121 : i32
    %add3A_123 = arith.constant 0 : i32
    %add3A_124 = arith.addi %mul3A_122, %add3A_123 : i32
    %mul3A_125 = arith.constant 128 : i32
    %mul3A_126 = arith.muli %add3A_124, %mul3A_125 : i32
    %add3A_127 = arith.constant 96 : i32
    %add3A_128 = arith.addi %mul3A_126, %add3A_127 : i32
    %add3A_129 = vector.broadcast %add3A_128 : i32 to vector<16xi32>
    %add3A_130 = arith.addi %add3A_129, %iota3A : vector<16xi32>
    %min3A_131 = arith.constant 9999 : i32
    %min3A_132 = vector.broadcast %min3A_131 : i32 to vector<16xi32>
    %min3A_133 = arith.minsi %add3A_130, %min3A_132 : vector<16xi32>
    %mul3A_134 = arith.constant 128 : i32
    %mul3A_135 = vector.broadcast %mul3A_134 : i32 to vector<16xi32>
    %mul3A_136 = arith.muli %min3A_133, %mul3A_135 : vector<16xi32>
    %swap3A_137 = arith.constant 0 : i32
    %swap3A_138 = arith.index_cast %swap3A_137 : i32 to index
    %swap3A_139 = arith.constant 96 : index
    %swap3A_140 = tpu.vector_load %arg7[%swap3A_138, %swap3A_139] {strides = array<i32>} : memref<5x128xi32, #tpu.memory_space<vmem>>, vector<16xi32>,
    tpu.vector_store %arg7[%swap3A_138, %swap3A_139], %mul3A_136 {strides = array<i32>} : memref<5x128xi32, #tpu.memory_space<vmem>>, vector<16xi32>,
    %mul3A_141 = arith.constant 5 : i32
    %mul3A_142 = arith.muli %arg1, %mul3A_141 : i32
    %add3A_143 = arith.constant 0 : i32
    %add3A_144 = arith.addi %mul3A_142, %add3A_143 : i32
    %mul3A_145 = arith.constant 128 : i32
    %mul3A_146 = arith.muli %add3A_144, %mul3A_145 : i32
    %add3A_147 = arith.constant 112 : i32
    %add3A_148 = arith.addi %mul3A_146, %add3A_147 : i32
    %add3A_149 = vector.broadcast %add3A_148 : i32 to vector<16xi32>
    %add3A_150 = arith.addi %add3A_149, %iota3A : vector<16xi32>
    %min3A_151 = arith.constant 9999 : i32
    %min3A_152 = vector.broadcast %min3A_151 : i32 to vector<16xi32>
    %min3A_153 = arith.minsi %add3A_150, %min3A_152 : vector<16xi32>
    %mul3A_154 = arith.constant 128 : i32
    %mul3A_155 = vector.broadcast %mul3A_154 : i32 to vector<16xi32>
    %mul3A_156 = arith.muli %min3A_153, %mul3A_155 : vector<16xi32>
    %swap3A_157 = arith.constant 0 : i32
    %swap3A_158 = arith.index_cast %swap3A_157 : i32 to index
    %swap3A_159 = arith.constant 112 : index
    %swap3A_160 = tpu.vector_load %arg7[%swap3A_158, %swap3A_159] {strides = array<i32>} : memref<5x128xi32, #tpu.memory_space<vmem>>, vector<16xi32>,
    tpu.vector_store %arg7[%swap3A_158, %swap3A_159], %mul3A_156 {strides = array<i32>} : memref<5x128xi32, #tpu.memory_space<vmem>>, vector<16xi32>,
    %mul3A_161 = arith.constant 5 : i32
    %mul3A_162 = arith.muli %arg1, %mul3A_161 : i32
    %add3A_163 = arith.constant 1 : i32
    %add3A_164 = arith.addi %mul3A_162, %add3A_163 : i32
    %mul3A_165 = arith.constant 128 : i32
    %mul3A_166 = arith.muli %add3A_164, %mul3A_165 : i32
    %add3A_167 = arith.constant 0 : i32
    %add3A_168 = arith.addi %mul3A_166, %add3A_167 : i32
    %add3A_169 = vector.broadcast %add3A_168 : i32 to vector<16xi32>
    %add3A_170 = arith.addi %add3A_169, %iota3A : vector<16xi32>
    %min3A_171 = arith.constant 9999 : i32
    %min3A_172 = vector.broadcast %min3A_171 : i32 to vector<16xi32>
    %min3A_173 = arith.minsi %add3A_170, %min3A_172 : vector<16xi32>
    %mul3A_174 = arith.constant 128 : i32
    %mul3A_175 = vector.broadcast %mul3A_174 : i32 to vector<16xi32>
    %mul3A_176 = arith.muli %min3A_173, %mul3A_175 : vector<16xi32>
    %swap3A_177 = arith.constant 1 : i32
    %swap3A_178 = arith.index_cast %swap3A_177 : i32 to index
    %swap3A_179 = arith.constant 0 : index
    %swap3A_180 = tpu.vector_load %arg7[%swap3A_178, %swap3A_179] {strides = array<i32>} : memref<5x128xi32, #tpu.memory_space<vmem>>, vector<16xi32>,
    tpu.vector_store %arg7[%swap3A_178, %swap3A_179], %mul3A_176 {strides = array<i32>} : memref<5x128xi32, #tpu.memory_space<vmem>>, vector<16xi32>,
    %mul3A_181 = arith.constant 5 : i32
    %mul3A_182 = arith.muli %arg1, %mul3A_181 : i32
    %add3A_183 = arith.constant 1 : i32
    %add3A_184 = arith.addi %mul3A_182, %add3A_183 : i32
    %mul3A_185 = arith.constant 128 : i32
    %mul3A_186 = arith.muli %add3A_184, %mul3A_185 : i32
    %add3A_187 = arith.constant 16 : i32
    %add3A_188 = arith.addi %mul3A_186, %add3A_187 : i32
    %add3A_189 = vector.broadcast %add3A_188 : i32 to vector<16xi32>
    %add3A_190 = arith.addi %add3A_189, %iota3A : vector<16xi32>
    %min3A_191 = arith.constant 9999 : i32
    %min3A_192 = vector.broadcast %min3A_191 : i32 to vector<16xi32>
    %min3A_193 = arith.minsi %add3A_190, %min3A_192 : vector<16xi32>
    %mul3A_194 = arith.constant 128 : i32
    %mul3A_195 = vector.broadcast %mul3A_194 : i32 to vector<16xi32>
    %mul3A_196 = arith.muli %min3A_193, %mul3A_195 : vector<16xi32>
    %swap3A_197 = arith.constant 1 : i32
    %swap3A_198 = arith.index_cast %swap3A_197 : i32 to index
    %swap3A_199 = arith.constant 16 : index
    %swap3A_200 = tpu.vector_load %arg7[%swap3A_198, %swap3A_199] {strides = array<i32>} : memref<5x128xi32, #tpu.memory_space<vmem>>, vector<16xi32>,
    tpu.vector_store %arg7[%swap3A_198, %swap3A_199], %mul3A_196 {strides = array<i32>} : memref<5x128xi32, #tpu.memory_space<vmem>>, vector<16xi32>,
    %mul3A_201 = arith.constant 5 : i32
    %mul3A_202 = arith.muli %arg1, %mul3A_201 : i32
    %add3A_203 = arith.constant 1 : i32
    %add3A_204 = arith.addi %mul3A_202, %add3A_203 : i32
    %mul3A_205 = arith.constant 128 : i32
    %mul3A_206 = arith.muli %add3A_204, %mul3A_205 : i32
    %add3A_207 = arith.constant 32 : i32
    %add3A_208 = arith.addi %mul3A_206, %add3A_207 : i32
    %add3A_209 = vector.broadcast %add3A_208 : i32 to vector<16xi32>
    %add3A_210 = arith.addi %add3A_209, %iota3A : vector<16xi32>
    %min3A_211 = arith.constant 9999 : i32
    %min3A_212 = vector.broadcast %min3A_211 : i32 to vector<16xi32>
    %min3A_213 = arith.minsi %add3A_210, %min3A_212 : vector<16xi32>
    %mul3A_214 = arith.constant 128 : i32
    %mul3A_215 = vector.broadcast %mul3A_214 : i32 to vector<16xi32>
    %mul3A_216 = arith.muli %min3A_213, %mul3A_215 : vector<16xi32>
    %swap3A_217 = arith.constant 1 : i32
    %swap3A_218 = arith.index_cast %swap3A_217 : i32 to index
    %swap3A_219 = arith.constant 32 : index
    %swap3A_220 = tpu.vector_load %arg7[%swap3A_218, %swap3A_219] {strides = array<i32>} : memref<5x128xi32, #tpu.memory_space<vmem>>, vector<16xi32>,
    tpu.vector_store %arg7[%swap3A_218, %swap3A_219], %mul3A_216 {strides = array<i32>} : memref<5x128xi32, #tpu.memory_space<vmem>>, vector<16xi32>,
    %mul3A_221 = arith.constant 5 : i32
    %mul3A_222 = arith.muli %arg1, %mul3A_221 : i32
    %add3A_223 = arith.constant 1 : i32
    %add3A_224 = arith.addi %mul3A_222, %add3A_223 : i32
    %mul3A_225 = arith.constant 128 : i32
    %mul3A_226 = arith.muli %add3A_224, %mul3A_225 : i32
    %add3A_227 = arith.constant 48 : i32
    %add3A_228 = arith.addi %mul3A_226, %add3A_227 : i32
    %add3A_229 = vector.broadcast %add3A_228 : i32 to vector<16xi32>
    %add3A_230 = arith.addi %add3A_229, %iota3A : vector<16xi32>
    %min3A_231 = arith.constant 9999 : i32
    %min3A_232 = vector.broadcast %min3A_231 : i32 to vector<16xi32>
    %min3A_233 = arith.minsi %add3A_230, %min3A_232 : vector<16xi32>
    %mul3A_234 = arith.constant 128 : i32
    %mul3A_235 = vector.broadcast %mul3A_234 : i32 to vector<16xi32>
    %mul3A_236 = arith.muli %min3A_233, %mul3A_235 : vector<16xi32>
    %swap3A_237 = arith.constant 1 : i32
    %swap3A_238 = arith.index_cast %swap3A_237 : i32 to index
    %swap3A_239 = arith.constant 48 : index
    %swap3A_240 = tpu.vector_load %arg7[%swap3A_238, %swap3A_239] {strides = array<i32>} : memref<5x128xi32, #tpu.memory_space<vmem>>, vector<16xi32>,
    tpu.vector_store %arg7[%swap3A_238, %swap3A_239], %mul3A_236 {strides = array<i32>} : memref<5x128xi32, #tpu.memory_space<vmem>>, vector<16xi32>,
    %mul3A_241 = arith.constant 5 : i32
    %mul3A_242 = arith.muli %arg1, %mul3A_241 : i32
    %add3A_243 = arith.constant 1 : i32
    %add3A_244 = arith.addi %mul3A_242, %add3A_243 : i32
    %mul3A_245 = arith.constant 128 : i32
    %mul3A_246 = arith.muli %add3A_244, %mul3A_245 : i32
    %add3A_247 = arith.constant 64 : i32
    %add3A_248 = arith.addi %mul3A_246, %add3A_247 : i32
    %add3A_249 = vector.broadcast %add3A_248 : i32 to vector<16xi32>
    %add3A_250 = arith.addi %add3A_249, %iota3A : vector<16xi32>
    %min3A_251 = arith.constant 9999 : i32
    %min3A_252 = vector.broadcast %min3A_251 : i32 to vector<16xi32>
    %min3A_253 = arith.minsi %add3A_250, %min3A_252 : vector<16xi32>
    %mul3A_254 = arith.constant 128 : i32
    %mul3A_255 = vector.broadcast %mul3A_254 : i32 to vector<16xi32>
    %mul3A_256 = arith.muli %min3A_253, %mul3A_255 : vector<16xi32>
    %swap3A_257 = arith.constant 1 : i32
    %swap3A_258 = arith.index_cast %swap3A_257 : i32 to index
    %swap3A_259 = arith.constant 64 : index
    %swap3A_260 = tpu.vector_load %arg7[%swap3A_258, %swap3A_259] {strides = array<i32>} : memref<5x128xi32, #tpu.memory_space<vmem>>, vector<16xi32>,
    tpu.vector_store %arg7[%swap3A_258, %swap3A_259], %mul3A_256 {strides = array<i32>} : memref<5x128xi32, #tpu.memory_space<vmem>>, vector<16xi32>,
    %mul3A_261 = arith.constant 5 : i32
    %mul3A_262 = arith.muli %arg1, %mul3A_261 : i32
    %add3A_263 = arith.constant 1 : i32
    %add3A_264 = arith.addi %mul3A_262, %add3A_263 : i32
    %mul3A_265 = arith.constant 128 : i32
    %mul3A_266 = arith.muli %add3A_264, %mul3A_265 : i32
    %add3A_267 = arith.constant 80 : i32
    %add3A_268 = arith.addi %mul3A_266, %add3A_267 : i32
    %add3A_269 = vector.broadcast %add3A_268 : i32 to vector<16xi32>
    %add3A_270 = arith.addi %add3A_269, %iota3A : vector<16xi32>
    %min3A_271 = arith.constant 9999 : i32
    %min3A_272 = vector.broadcast %min3A_271 : i32 to vector<16xi32>
    %min3A_273 = arith.minsi %add3A_270, %min3A_272 : vector<16xi32>
    %mul3A_274 = arith.constant 128 : i32
    %mul3A_275 = vector.broadcast %mul3A_274 : i32 to vector<16xi32>
    %mul3A_276 = arith.muli %min3A_273, %mul3A_275 : vector<16xi32>
    %swap3A_277 = arith.constant 1 : i32
    %swap3A_278 = arith.index_cast %swap3A_277 : i32 to index
    %swap3A_279 = arith.constant 80 : index
    %swap3A_280 = tpu.vector_load %arg7[%swap3A_278, %swap3A_279] {strides = array<i32>} : memref<5x128xi32, #tpu.memory_space<vmem>>, vector<16xi32>,
    tpu.vector_store %arg7[%swap3A_278, %swap3A_279], %mul3A_276 {strides = array<i32>} : memref<5x128xi32, #tpu.memory_space<vmem>>, vector<16xi32>,
    %mul3A_281 = arith.constant 5 : i32
    %mul3A_282 = arith.muli %arg1, %mul3A_281 : i32
    %add3A_283 = arith.constant 1 : i32
    %add3A_284 = arith.addi %mul3A_282, %add3A_283 : i32
    %mul3A_285 = arith.constant 128 : i32
    %mul3A_286 = arith.muli %add3A_284, %mul3A_285 : i32
    %add3A_287 = arith.constant 96 : i32
    %add3A_288 = arith.addi %mul3A_286, %add3A_287 : i32
    %add3A_289 = vector.broadcast %add3A_288 : i32 to vector<16xi32>
    %add3A_290 = arith.addi %add3A_289, %iota3A : vector<16xi32>
    %min3A_291 = arith.constant 9999 : i32
    %min3A_292 = vector.broadcast %min3A_291 : i32 to vector<16xi32>
    %min3A_293 = arith.minsi %add3A_290, %min3A_292 : vector<16xi32>
    %mul3A_294 = arith.constant 128 : i32
    %mul3A_295 = vector.broadcast %mul3A_294 : i32 to vector<16xi32>
    %mul3A_296 = arith.muli %min3A_293, %mul3A_295 : vector<16xi32>
    %swap3A_297 = arith.constant 1 : i32
    %swap3A_298 = arith.index_cast %swap3A_297 : i32 to index
    %swap3A_299 = arith.constant 96 : index
    %swap3A_300 = tpu.vector_load %arg7[%swap3A_298, %swap3A_299] {strides = array<i32>} : memref<5x128xi32, #tpu.memory_space<vmem>>, vector<16xi32>,
    tpu.vector_store %arg7[%swap3A_298, %swap3A_299], %mul3A_296 {strides = array<i32>} : memref<5x128xi32, #tpu.memory_space<vmem>>, vector<16xi32>,
    %mul3A_301 = arith.constant 5 : i32
    %mul3A_302 = arith.muli %arg1, %mul3A_301 : i32
    %add3A_303 = arith.constant 1 : i32
    %add3A_304 = arith.addi %mul3A_302, %add3A_303 : i32
    %mul3A_305 = arith.constant 128 : i32
    %mul3A_306 = arith.muli %add3A_304, %mul3A_305 : i32
    %add3A_307 = arith.constant 112 : i32
    %add3A_308 = arith.addi %mul3A_306, %add3A_307 : i32
    %add3A_309 = vector.broadcast %add3A_308 : i32 to vector<16xi32>
    %add3A_310 = arith.addi %add3A_309, %iota3A : vector<16xi32>
    %min3A_311 = arith.constant 9999 : i32
    %min3A_312 = vector.broadcast %min3A_311 : i32 to vector<16xi32>
    %min3A_313 = arith.minsi %add3A_310, %min3A_312 : vector<16xi32>
    %mul3A_314 = arith.constant 128 : i32
    %mul3A_315 = vector.broadcast %mul3A_314 : i32 to vector<16xi32>
    %mul3A_316 = arith.muli %min3A_313, %mul3A_315 : vector<16xi32>
    %swap3A_317 = arith.constant 1 : i32
    %swap3A_318 = arith.index_cast %swap3A_317 : i32 to index
    %swap3A_319 = arith.constant 112 : index
    %swap3A_320 = tpu.vector_load %arg7[%swap3A_318, %swap3A_319] {strides = array<i32>} : memref<5x128xi32, #tpu.memory_space<vmem>>, vector<16xi32>,
    tpu.vector_store %arg7[%swap3A_318, %swap3A_319], %mul3A_316 {strides = array<i32>} : memref<5x128xi32, #tpu.memory_space<vmem>>, vector<16xi32>,
    %mul3A_321 = arith.constant 5 : i32
    %mul3A_322 = arith.muli %arg1, %mul3A_321 : i32
    %add3A_323 = arith.constant 2 : i32
    %add3A_324 = arith.addi %mul3A_322, %add3A_323 : i32
    %mul3A_325 = arith.constant 128 : i32
    %mul3A_326 = arith.muli %add3A_324, %mul3A_325 : i32
    %add3A_327 = arith.constant 0 : i32
    %add3A_328 = arith.addi %mul3A_326, %add3A_327 : i32
    %add3A_329 = vector.broadcast %add3A_328 : i32 to vector<16xi32>
    %add3A_330 = arith.addi %add3A_329, %iota3A : vector<16xi32>
    %min3A_331 = arith.constant 9999 : i32
    %min3A_332 = vector.broadcast %min3A_331 : i32 to vector<16xi32>
    %min3A_333 = arith.minsi %add3A_330, %min3A_332 : vector<16xi32>
    %mul3A_334 = arith.constant 128 : i32
    %mul3A_335 = vector.broadcast %mul3A_334 : i32 to vector<16xi32>
    %mul3A_336 = arith.muli %min3A_333, %mul3A_335 : vector<16xi32>
    %swap3A_337 = arith.constant 2 : i32
    %swap3A_338 = arith.index_cast %swap3A_337 : i32 to index
    %swap3A_339 = arith.constant 0 : index
    %swap3A_340 = tpu.vector_load %arg7[%swap3A_338, %swap3A_339] {strides = array<i32>} : memref<5x128xi32, #tpu.memory_space<vmem>>, vector<16xi32>,
    tpu.vector_store %arg7[%swap3A_338, %swap3A_339], %mul3A_336 {strides = array<i32>} : memref<5x128xi32, #tpu.memory_space<vmem>>, vector<16xi32>,
    %mul3A_341 = arith.constant 5 : i32
    %mul3A_342 = arith.muli %arg1, %mul3A_341 : i32
    %add3A_343 = arith.constant 2 : i32
    %add3A_344 = arith.addi %mul3A_342, %add3A_343 : i32
    %mul3A_345 = arith.constant 128 : i32
    %mul3A_346 = arith.muli %add3A_344, %mul3A_345 : i32
    %add3A_347 = arith.constant 16 : i32
    %add3A_348 = arith.addi %mul3A_346, %add3A_347 : i32
    %add3A_349 = vector.broadcast %add3A_348 : i32 to vector<16xi32>
    %add3A_350 = arith.addi %add3A_349, %iota3A : vector<16xi32>
    %min3A_351 = arith.constant 9999 : i32
    %min3A_352 = vector.broadcast %min3A_351 : i32 to vector<16xi32>
    %min3A_353 = arith.minsi %add3A_350, %min3A_352 : vector<16xi32>
    %mul3A_354 = arith.constant 128 : i32
    %mul3A_355 = vector.broadcast %mul3A_354 : i32 to vector<16xi32>
    %mul3A_356 = arith.muli %min3A_353, %mul3A_355 : vector<16xi32>
    %swap3A_357 = arith.constant 2 : i32
    %swap3A_358 = arith.index_cast %swap3A_357 : i32 to index
    %swap3A_359 = arith.constant 16 : index
    %swap3A_360 = tpu.vector_load %arg7[%swap3A_358, %swap3A_359] {strides = array<i32>} : memref<5x128xi32, #tpu.memory_space<vmem>>, vector<16xi32>,
    tpu.vector_store %arg7[%swap3A_358, %swap3A_359], %mul3A_356 {strides = array<i32>} : memref<5x128xi32, #tpu.memory_space<vmem>>, vector<16xi32>,
    %mul3A_361 = arith.constant 5 : i32
    %mul3A_362 = arith.muli %arg1, %mul3A_361 : i32
    %add3A_363 = arith.constant 2 : i32
    %add3A_364 = arith.addi %mul3A_362, %add3A_363 : i32
    %mul3A_365 = arith.constant 128 : i32
    %mul3A_366 = arith.muli %add3A_364, %mul3A_365 : i32
    %add3A_367 = arith.constant 32 : i32
    %add3A_368 = arith.addi %mul3A_366, %add3A_367 : i32
    %add3A_369 = vector.broadcast %add3A_368 : i32 to vector<16xi32>
    %add3A_370 = arith.addi %add3A_369, %iota3A : vector<16xi32>
    %min3A_371 = arith.constant 9999 : i32
    %min3A_372 = vector.broadcast %min3A_371 : i32 to vector<16xi32>
    %min3A_373 = arith.minsi %add3A_370, %min3A_372 : vector<16xi32>
    %mul3A_374 = arith.constant 128 : i32
    %mul3A_375 = vector.broadcast %mul3A_374 : i32 to vector<16xi32>
    %mul3A_376 = arith.muli %min3A_373, %mul3A_375 : vector<16xi32>
    %swap3A_377 = arith.constant 2 : i32
    %swap3A_378 = arith.index_cast %swap3A_377 : i32 to index
    %swap3A_379 = arith.constant 32 : index
    %swap3A_380 = tpu.vector_load %arg7[%swap3A_378, %swap3A_379] {strides = array<i32>} : memref<5x128xi32, #tpu.memory_space<vmem>>, vector<16xi32>,
    tpu.vector_store %arg7[%swap3A_378, %swap3A_379], %mul3A_376 {strides = array<i32>} : memref<5x128xi32, #tpu.memory_space<vmem>>, vector<16xi32>,
    %mul3A_381 = arith.constant 5 : i32
    %mul3A_382 = arith.muli %arg1, %mul3A_381 : i32
    %add3A_383 = arith.constant 2 : i32
    %add3A_384 = arith.addi %mul3A_382, %add3A_383 : i32
    %mul3A_385 = arith.constant 128 : i32
    %mul3A_386 = arith.muli %add3A_384, %mul3A_385 : i32
    %add3A_387 = arith.constant 48 : i32
    %add3A_388 = arith.addi %mul3A_386, %add3A_387 : i32
    %add3A_389 = vector.broadcast %add3A_388 : i32 to vector<16xi32>
    %add3A_390 = arith.addi %add3A_389, %iota3A : vector<16xi32>
    %min3A_391 = arith.constant 9999 : i32
    %min3A_392 = vector.broadcast %min3A_391 : i32 to vector<16xi32>
    %min3A_393 = arith.minsi %add3A_390, %min3A_392 : vector<16xi32>
    %mul3A_394 = arith.constant 128 : i32
    %mul3A_395 = vector.broadcast %mul3A_394 : i32 to vector<16xi32>
    %mul3A_396 = arith.muli %min3A_393, %mul3A_395 : vector<16xi32>
    %swap3A_397 = arith.constant 2 : i32
    %swap3A_398 = arith.index_cast %swap3A_397 : i32 to index
    %swap3A_399 = arith.constant 48 : index
    %swap3A_400 = tpu.vector_load %arg7[%swap3A_398, %swap3A_399] {strides = array<i32>} : memref<5x128xi32, #tpu.memory_space<vmem>>, vector<16xi32>,
    tpu.vector_store %arg7[%swap3A_398, %swap3A_399], %mul3A_396 {strides = array<i32>} : memref<5x128xi32, #tpu.memory_space<vmem>>, vector<16xi32>,
    %mul3A_401 = arith.constant 5 : i32
    %mul3A_402 = arith.muli %arg1, %mul3A_401 : i32
    %add3A_403 = arith.constant 2 : i32
    %add3A_404 = arith.addi %mul3A_402, %add3A_403 : i32
    %mul3A_405 = arith.constant 128 : i32
    %mul3A_406 = arith.muli %add3A_404, %mul3A_405 : i32
    %add3A_407 = arith.constant 64 : i32
    %add3A_408 = arith.addi %mul3A_406, %add3A_407 : i32
    %add3A_409 = vector.broadcast %add3A_408 : i32 to vector<16xi32>
    %add3A_410 = arith.addi %add3A_409, %iota3A : vector<16xi32>
    %min3A_411 = arith.constant 9999 : i32
    %min3A_412 = vector.broadcast %min3A_411 : i32 to vector<16xi32>
    %min3A_413 = arith.minsi %add3A_410, %min3A_412 : vector<16xi32>
    %mul3A_414 = arith.constant 128 : i32
    %mul3A_415 = vector.broadcast %mul3A_414 : i32 to vector<16xi32>
    %mul3A_416 = arith.muli %min3A_413, %mul3A_415 : vector<16xi32>
    %swap3A_417 = arith.constant 2 : i32
    %swap3A_418 = arith.index_cast %swap3A_417 : i32 to index
    %swap3A_419 = arith.constant 64 : index
    %swap3A_420 = tpu.vector_load %arg7[%swap3A_418, %swap3A_419] {strides = array<i32>} : memref<5x128xi32, #tpu.memory_space<vmem>>, vector<16xi32>,
    tpu.vector_store %arg7[%swap3A_418, %swap3A_419], %mul3A_416 {strides = array<i32>} : memref<5x128xi32, #tpu.memory_space<vmem>>, vector<16xi32>,
    %mul3A_421 = arith.constant 5 : i32
    %mul3A_422 = arith.muli %arg1, %mul3A_421 : i32
    %add3A_423 = arith.constant 2 : i32
    %add3A_424 = arith.addi %mul3A_422, %add3A_423 : i32
    %mul3A_425 = arith.constant 128 : i32
    %mul3A_426 = arith.muli %add3A_424, %mul3A_425 : i32
    %add3A_427 = arith.constant 80 : i32
    %add3A_428 = arith.addi %mul3A_426, %add3A_427 : i32
    %add3A_429 = vector.broadcast %add3A_428 : i32 to vector<16xi32>
    %add3A_430 = arith.addi %add3A_429, %iota3A : vector<16xi32>
    %min3A_431 = arith.constant 9999 : i32
    %min3A_432 = vector.broadcast %min3A_431 : i32 to vector<16xi32>
    %min3A_433 = arith.minsi %add3A_430, %min3A_432 : vector<16xi32>
    %mul3A_434 = arith.constant 128 : i32
    %mul3A_435 = vector.broadcast %mul3A_434 : i32 to vector<16xi32>
    %mul3A_436 = arith.muli %min3A_433, %mul3A_435 : vector<16xi32>
    %swap3A_437 = arith.constant 2 : i32
    %swap3A_438 = arith.index_cast %swap3A_437 : i32 to index
    %swap3A_439 = arith.constant 80 : index
    %swap3A_440 = tpu.vector_load %arg7[%swap3A_438, %swap3A_439] {strides = array<i32>} : memref<5x128xi32, #tpu.memory_space<vmem>>, vector<16xi32>,
    tpu.vector_store %arg7[%swap3A_438, %swap3A_439], %mul3A_436 {strides = array<i32>} : memref<5x128xi32, #tpu.memory_space<vmem>>, vector<16xi32>,
    %mul3A_441 = arith.constant 5 : i32
    %mul3A_442 = arith.muli %arg1, %mul3A_441 : i32
    %add3A_443 = arith.constant 2 : i32
    %add3A_444 = arith.addi %mul3A_442, %add3A_443 : i32
    %mul3A_445 = arith.constant 128 : i32
    %mul3A_446 = arith.muli %add3A_444, %mul3A_445 : i32
    %add3A_447 = arith.constant 96 : i32
    %add3A_448 = arith.addi %mul3A_446, %add3A_447 : i32
    %add3A_449 = vector.broadcast %add3A_448 : i32 to vector<16xi32>
    %add3A_450 = arith.addi %add3A_449, %iota3A : vector<16xi32>
    %min3A_451 = arith.constant 9999 : i32
    %min3A_452 = vector.broadcast %min3A_451 : i32 to vector<16xi32>
    %min3A_453 = arith.minsi %add3A_450, %min3A_452 : vector<16xi32>
    %mul3A_454 = arith.constant 128 : i32
    %mul3A_455 = vector.broadcast %mul3A_454 : i32 to vector<16xi32>
    %mul3A_456 = arith.muli %min3A_453, %mul3A_455 : vector<16xi32>
    %swap3A_457 = arith.constant 2 : i32
    %swap3A_458 = arith.index_cast %swap3A_457 : i32 to index
    %swap3A_459 = arith.constant 96 : index
    %swap3A_460 = tpu.vector_load %arg7[%swap3A_458, %swap3A_459] {strides = array<i32>} : memref<5x128xi32, #tpu.memory_space<vmem>>, vector<16xi32>,
    tpu.vector_store %arg7[%swap3A_458, %swap3A_459], %mul3A_456 {strides = array<i32>} : memref<5x128xi32, #tpu.memory_space<vmem>>, vector<16xi32>,
    %mul3A_461 = arith.constant 5 : i32
    %mul3A_462 = arith.muli %arg1, %mul3A_461 : i32
    %add3A_463 = arith.constant 2 : i32
    %add3A_464 = arith.addi %mul3A_462, %add3A_463 : i32
    %mul3A_465 = arith.constant 128 : i32
    %mul3A_466 = arith.muli %add3A_464, %mul3A_465 : i32
    %add3A_467 = arith.constant 112 : i32
    %add3A_468 = arith.addi %mul3A_466, %add3A_467 : i32
    %add3A_469 = vector.broadcast %add3A_468 : i32 to vector<16xi32>
    %add3A_470 = arith.addi %add3A_469, %iota3A : vector<16xi32>
    %min3A_471 = arith.constant 9999 : i32
    %min3A_472 = vector.broadcast %min3A_471 : i32 to vector<16xi32>
    %min3A_473 = arith.minsi %add3A_470, %min3A_472 : vector<16xi32>
    %mul3A_474 = arith.constant 128 : i32
    %mul3A_475 = vector.broadcast %mul3A_474 : i32 to vector<16xi32>
    %mul3A_476 = arith.muli %min3A_473, %mul3A_475 : vector<16xi32>
    %swap3A_477 = arith.constant 2 : i32
    %swap3A_478 = arith.index_cast %swap3A_477 : i32 to index
    %swap3A_479 = arith.constant 112 : index
    %swap3A_480 = tpu.vector_load %arg7[%swap3A_478, %swap3A_479] {strides = array<i32>} : memref<5x128xi32, #tpu.memory_space<vmem>>, vector<16xi32>,
    tpu.vector_store %arg7[%swap3A_478, %swap3A_479], %mul3A_476 {strides = array<i32>} : memref<5x128xi32, #tpu.memory_space<vmem>>, vector<16xi32>,
    %mul3A_481 = arith.constant 5 : i32
    %mul3A_482 = arith.muli %arg1, %mul3A_481 : i32
    %add3A_483 = arith.constant 3 : i32
    %add3A_484 = arith.addi %mul3A_482, %add3A_483 : i32
    %mul3A_485 = arith.constant 128 : i32
    %mul3A_486 = arith.muli %add3A_484, %mul3A_485 : i32
    %add3A_487 = arith.constant 0 : i32
    %add3A_488 = arith.addi %mul3A_486, %add3A_487 : i32
    %add3A_489 = vector.broadcast %add3A_488 : i32 to vector<16xi32>
    %add3A_490 = arith.addi %add3A_489, %iota3A : vector<16xi32>
    %min3A_491 = arith.constant 9999 : i32
    %min3A_492 = vector.broadcast %min3A_491 : i32 to vector<16xi32>
    %min3A_493 = arith.minsi %add3A_490, %min3A_492 : vector<16xi32>
    %mul3A_494 = arith.constant 128 : i32
    %mul3A_495 = vector.broadcast %mul3A_494 : i32 to vector<16xi32>
    %mul3A_496 = arith.muli %min3A_493, %mul3A_495 : vector<16xi32>
    %swap3A_497 = arith.constant 3 : i32
    %swap3A_498 = arith.index_cast %swap3A_497 : i32 to index
    %swap3A_499 = arith.constant 0 : index
    %swap3A_500 = tpu.vector_load %arg7[%swap3A_498, %swap3A_499] {strides = array<i32>} : memref<5x128xi32, #tpu.memory_space<vmem>>, vector<16xi32>,
    tpu.vector_store %arg7[%swap3A_498, %swap3A_499], %mul3A_496 {strides = array<i32>} : memref<5x128xi32, #tpu.memory_space<vmem>>, vector<16xi32>,
    %mul3A_501 = arith.constant 5 : i32
    %mul3A_502 = arith.muli %arg1, %mul3A_501 : i32
    %add3A_503 = arith.constant 3 : i32
    %add3A_504 = arith.addi %mul3A_502, %add3A_503 : i32
    %mul3A_505 = arith.constant 128 : i32
    %mul3A_506 = arith.muli %add3A_504, %mul3A_505 : i32
    %add3A_507 = arith.constant 16 : i32
    %add3A_508 = arith.addi %mul3A_506, %add3A_507 : i32
    %add3A_509 = vector.broadcast %add3A_508 : i32 to vector<16xi32>
    %add3A_510 = arith.addi %add3A_509, %iota3A : vector<16xi32>
    %min3A_511 = arith.constant 9999 : i32
    %min3A_512 = vector.broadcast %min3A_511 : i32 to vector<16xi32>
    %min3A_513 = arith.minsi %add3A_510, %min3A_512 : vector<16xi32>
    %mul3A_514 = arith.constant 128 : i32
    %mul3A_515 = vector.broadcast %mul3A_514 : i32 to vector<16xi32>
    %mul3A_516 = arith.muli %min3A_513, %mul3A_515 : vector<16xi32>
    %swap3A_517 = arith.constant 3 : i32
    %swap3A_518 = arith.index_cast %swap3A_517 : i32 to index
    %swap3A_519 = arith.constant 16 : index
    %swap3A_520 = tpu.vector_load %arg7[%swap3A_518, %swap3A_519] {strides = array<i32>} : memref<5x128xi32, #tpu.memory_space<vmem>>, vector<16xi32>,
    tpu.vector_store %arg7[%swap3A_518, %swap3A_519], %mul3A_516 {strides = array<i32>} : memref<5x128xi32, #tpu.memory_space<vmem>>, vector<16xi32>,
    %mul3A_521 = arith.constant 5 : i32
    %mul3A_522 = arith.muli %arg1, %mul3A_521 : i32
    %add3A_523 = arith.constant 3 : i32
    %add3A_524 = arith.addi %mul3A_522, %add3A_523 : i32
    %mul3A_525 = arith.constant 128 : i32
    %mul3A_526 = arith.muli %add3A_524, %mul3A_525 : i32
    %add3A_527 = arith.constant 32 : i32
    %add3A_528 = arith.addi %mul3A_526, %add3A_527 : i32
    %add3A_529 = vector.broadcast %add3A_528 : i32 to vector<16xi32>
    %add3A_530 = arith.addi %add3A_529, %iota3A : vector<16xi32>
    %min3A_531 = arith.constant 9999 : i32
    %min3A_532 = vector.broadcast %min3A_531 : i32 to vector<16xi32>
    %min3A_533 = arith.minsi %add3A_530, %min3A_532 : vector<16xi32>
    %mul3A_534 = arith.constant 128 : i32
    %mul3A_535 = vector.broadcast %mul3A_534 : i32 to vector<16xi32>
    %mul3A_536 = arith.muli %min3A_533, %mul3A_535 : vector<16xi32>
    %swap3A_537 = arith.constant 3 : i32
    %swap3A_538 = arith.index_cast %swap3A_537 : i32 to index
    %swap3A_539 = arith.constant 32 : index
    %swap3A_540 = tpu.vector_load %arg7[%swap3A_538, %swap3A_539] {strides = array<i32>} : memref<5x128xi32, #tpu.memory_space<vmem>>, vector<16xi32>,
    tpu.vector_store %arg7[%swap3A_538, %swap3A_539], %mul3A_536 {strides = array<i32>} : memref<5x128xi32, #tpu.memory_space<vmem>>, vector<16xi32>,
    %mul3A_541 = arith.constant 5 : i32
    %mul3A_542 = arith.muli %arg1, %mul3A_541 : i32
    %add3A_543 = arith.constant 3 : i32
    %add3A_544 = arith.addi %mul3A_542, %add3A_543 : i32
    %mul3A_545 = arith.constant 128 : i32
    %mul3A_546 = arith.muli %add3A_544, %mul3A_545 : i32
    %add3A_547 = arith.constant 48 : i32
    %add3A_548 = arith.addi %mul3A_546, %add3A_547 : i32
    %add3A_549 = vector.broadcast %add3A_548 : i32 to vector<16xi32>
    %add3A_550 = arith.addi %add3A_549, %iota3A : vector<16xi32>
    %min3A_551 = arith.constant 9999 : i32
    %min3A_552 = vector.broadcast %min3A_551 : i32 to vector<16xi32>
    %min3A_553 = arith.minsi %add3A_550, %min3A_552 : vector<16xi32>
    %mul3A_554 = arith.constant 128 : i32
    %mul3A_555 = vector.broadcast %mul3A_554 : i32 to vector<16xi32>
    %mul3A_556 = arith.muli %min3A_553, %mul3A_555 : vector<16xi32>
    %swap3A_557 = arith.constant 3 : i32
    %swap3A_558 = arith.index_cast %swap3A_557 : i32 to index
    %swap3A_559 = arith.constant 48 : index
    %swap3A_560 = tpu.vector_load %arg7[%swap3A_558, %swap3A_559] {strides = array<i32>} : memref<5x128xi32, #tpu.memory_space<vmem>>, vector<16xi32>,
    tpu.vector_store %arg7[%swap3A_558, %swap3A_559], %mul3A_556 {strides = array<i32>} : memref<5x128xi32, #tpu.memory_space<vmem>>, vector<16xi32>,
    %mul3A_561 = arith.constant 5 : i32
    %mul3A_562 = arith.muli %arg1, %mul3A_561 : i32
    %add3A_563 = arith.constant 3 : i32
    %add3A_564 = arith.addi %mul3A_562, %add3A_563 : i32
    %mul3A_565 = arith.constant 128 : i32
    %mul3A_566 = arith.muli %add3A_564, %mul3A_565 : i32
    %add3A_567 = arith.constant 64 : i32
    %add3A_568 = arith.addi %mul3A_566, %add3A_567 : i32
    %add3A_569 = vector.broadcast %add3A_568 : i32 to vector<16xi32>
    %add3A_570 = arith.addi %add3A_569, %iota3A : vector<16xi32>
    %min3A_571 = arith.constant 9999 : i32
    %min3A_572 = vector.broadcast %min3A_571 : i32 to vector<16xi32>
    %min3A_573 = arith.minsi %add3A_570, %min3A_572 : vector<16xi32>
    %mul3A_574 = arith.constant 128 : i32
    %mul3A_575 = vector.broadcast %mul3A_574 : i32 to vector<16xi32>
    %mul3A_576 = arith.muli %min3A_573, %mul3A_575 : vector<16xi32>
    %swap3A_577 = arith.constant 3 : i32
    %swap3A_578 = arith.index_cast %swap3A_577 : i32 to index
    %swap3A_579 = arith.constant 64 : index
    %swap3A_580 = tpu.vector_load %arg7[%swap3A_578, %swap3A_579] {strides = array<i32>} : memref<5x128xi32, #tpu.memory_space<vmem>>, vector<16xi32>,
    tpu.vector_store %arg7[%swap3A_578, %swap3A_579], %mul3A_576 {strides = array<i32>} : memref<5x128xi32, #tpu.memory_space<vmem>>, vector<16xi32>,
    %mul3A_581 = arith.constant 5 : i32
    %mul3A_582 = arith.muli %arg1, %mul3A_581 : i32
    %add3A_583 = arith.constant 3 : i32
    %add3A_584 = arith.addi %mul3A_582, %add3A_583 : i32
    %mul3A_585 = arith.constant 128 : i32
    %mul3A_586 = arith.muli %add3A_584, %mul3A_585 : i32
    %add3A_587 = arith.constant 80 : i32
    %add3A_588 = arith.addi %mul3A_586, %add3A_587 : i32
    %add3A_589 = vector.broadcast %add3A_588 : i32 to vector<16xi32>
    %add3A_590 = arith.addi %add3A_589, %iota3A : vector<16xi32>
    %min3A_591 = arith.constant 9999 : i32
    %min3A_592 = vector.broadcast %min3A_591 : i32 to vector<16xi32>
    %min3A_593 = arith.minsi %add3A_590, %min3A_592 : vector<16xi32>
    %mul3A_594 = arith.constant 128 : i32
    %mul3A_595 = vector.broadcast %mul3A_594 : i32 to vector<16xi32>
    %mul3A_596 = arith.muli %min3A_593, %mul3A_595 : vector<16xi32>
    %swap3A_597 = arith.constant 3 : i32
    %swap3A_598 = arith.index_cast %swap3A_597 : i32 to index
    %swap3A_599 = arith.constant 80 : index
    %swap3A_600 = tpu.vector_load %arg7[%swap3A_598, %swap3A_599] {strides = array<i32>} : memref<5x128xi32, #tpu.memory_space<vmem>>, vector<16xi32>,
    tpu.vector_store %arg7[%swap3A_598, %swap3A_599], %mul3A_596 {strides = array<i32>} : memref<5x128xi32, #tpu.memory_space<vmem>>, vector<16xi32>,
    %mul3A_601 = arith.constant 5 : i32
    %mul3A_602 = arith.muli %arg1, %mul3A_601 : i32
    %add3A_603 = arith.constant 3 : i32
    %add3A_604 = arith.addi %mul3A_602, %add3A_603 : i32
    %mul3A_605 = arith.constant 128 : i32
    %mul3A_606 = arith.muli %add3A_604, %mul3A_605 : i32
    %add3A_607 = arith.constant 96 : i32
    %add3A_608 = arith.addi %mul3A_606, %add3A_607 : i32
    %add3A_609 = vector.broadcast %add3A_608 : i32 to vector<16xi32>
    %add3A_610 = arith.addi %add3A_609, %iota3A : vector<16xi32>
    %min3A_611 = arith.constant 9999 : i32
    %min3A_612 = vector.broadcast %min3A_611 : i32 to vector<16xi32>
    %min3A_613 = arith.minsi %add3A_610, %min3A_612 : vector<16xi32>
    %mul3A_614 = arith.constant 128 : i32
    %mul3A_615 = vector.broadcast %mul3A_614 : i32 to vector<16xi32>
    %mul3A_616 = arith.muli %min3A_613, %mul3A_615 : vector<16xi32>
    %swap3A_617 = arith.constant 3 : i32
    %swap3A_618 = arith.index_cast %swap3A_617 : i32 to index
    %swap3A_619 = arith.constant 96 : index
    %swap3A_620 = tpu.vector_load %arg7[%swap3A_618, %swap3A_619] {strides = array<i32>} : memref<5x128xi32, #tpu.memory_space<vmem>>, vector<16xi32>,
    tpu.vector_store %arg7[%swap3A_618, %swap3A_619], %mul3A_616 {strides = array<i32>} : memref<5x128xi32, #tpu.memory_space<vmem>>, vector<16xi32>,
    %mul3A_621 = arith.constant 5 : i32
    %mul3A_622 = arith.muli %arg1, %mul3A_621 : i32
    %add3A_623 = arith.constant 3 : i32
    %add3A_624 = arith.addi %mul3A_622, %add3A_623 : i32
    %mul3A_625 = arith.constant 128 : i32
    %mul3A_626 = arith.muli %add3A_624, %mul3A_625 : i32
    %add3A_627 = arith.constant 112 : i32
    %add3A_628 = arith.addi %mul3A_626, %add3A_627 : i32
    %add3A_629 = vector.broadcast %add3A_628 : i32 to vector<16xi32>
    %add3A_630 = arith.addi %add3A_629, %iota3A : vector<16xi32>
    %min3A_631 = arith.constant 9999 : i32
    %min3A_632 = vector.broadcast %min3A_631 : i32 to vector<16xi32>
    %min3A_633 = arith.minsi %add3A_630, %min3A_632 : vector<16xi32>
    %mul3A_634 = arith.constant 128 : i32
    %mul3A_635 = vector.broadcast %mul3A_634 : i32 to vector<16xi32>
    %mul3A_636 = arith.muli %min3A_633, %mul3A_635 : vector<16xi32>
    %swap3A_637 = arith.constant 3 : i32
    %swap3A_638 = arith.index_cast %swap3A_637 : i32 to index
    %swap3A_639 = arith.constant 112 : index
    %swap3A_640 = tpu.vector_load %arg7[%swap3A_638, %swap3A_639] {strides = array<i32>} : memref<5x128xi32, #tpu.memory_space<vmem>>, vector<16xi32>,
    tpu.vector_store %arg7[%swap3A_638, %swap3A_639], %mul3A_636 {strides = array<i32>} : memref<5x128xi32, #tpu.memory_space<vmem>>, vector<16xi32>,
    %mul3A_641 = arith.constant 5 : i32
    %mul3A_642 = arith.muli %arg1, %mul3A_641 : i32
    %add3A_643 = arith.constant 4 : i32
    %add3A_644 = arith.addi %mul3A_642, %add3A_643 : i32
    %mul3A_645 = arith.constant 128 : i32
    %mul3A_646 = arith.muli %add3A_644, %mul3A_645 : i32
    %add3A_647 = arith.constant 0 : i32
    %add3A_648 = arith.addi %mul3A_646, %add3A_647 : i32
    %add3A_649 = vector.broadcast %add3A_648 : i32 to vector<16xi32>
    %add3A_650 = arith.addi %add3A_649, %iota3A : vector<16xi32>
    %min3A_651 = arith.constant 9999 : i32
    %min3A_652 = vector.broadcast %min3A_651 : i32 to vector<16xi32>
    %min3A_653 = arith.minsi %add3A_650, %min3A_652 : vector<16xi32>
    %mul3A_654 = arith.constant 128 : i32
    %mul3A_655 = vector.broadcast %mul3A_654 : i32 to vector<16xi32>
    %mul3A_656 = arith.muli %min3A_653, %mul3A_655 : vector<16xi32>
    %swap3A_657 = arith.constant 4 : i32
    %swap3A_658 = arith.index_cast %swap3A_657 : i32 to index
    %swap3A_659 = arith.constant 0 : index
    %swap3A_660 = tpu.vector_load %arg7[%swap3A_658, %swap3A_659] {strides = array<i32>} : memref<5x128xi32, #tpu.memory_space<vmem>>, vector<16xi32>,
    tpu.vector_store %arg7[%swap3A_658, %swap3A_659], %mul3A_656 {strides = array<i32>} : memref<5x128xi32, #tpu.memory_space<vmem>>, vector<16xi32>,
    %mul3A_661 = arith.constant 5 : i32
    %mul3A_662 = arith.muli %arg1, %mul3A_661 : i32
    %add3A_663 = arith.constant 4 : i32
    %add3A_664 = arith.addi %mul3A_662, %add3A_663 : i32
    %mul3A_665 = arith.constant 128 : i32
    %mul3A_666 = arith.muli %add3A_664, %mul3A_665 : i32
    %add3A_667 = arith.constant 16 : i32
    %add3A_668 = arith.addi %mul3A_666, %add3A_667 : i32
    %add3A_669 = vector.broadcast %add3A_668 : i32 to vector<16xi32>
    %add3A_670 = arith.addi %add3A_669, %iota3A : vector<16xi32>
    %min3A_671 = arith.constant 9999 : i32
    %min3A_672 = vector.broadcast %min3A_671 : i32 to vector<16xi32>
    %min3A_673 = arith.minsi %add3A_670, %min3A_672 : vector<16xi32>
    %mul3A_674 = arith.constant 128 : i32
    %mul3A_675 = vector.broadcast %mul3A_674 : i32 to vector<16xi32>
    %mul3A_676 = arith.muli %min3A_673, %mul3A_675 : vector<16xi32>
    %swap3A_677 = arith.constant 4 : i32
    %swap3A_678 = arith.index_cast %swap3A_677 : i32 to index
    %swap3A_679 = arith.constant 16 : index
    %swap3A_680 = tpu.vector_load %arg7[%swap3A_678, %swap3A_679] {strides = array<i32>} : memref<5x128xi32, #tpu.memory_space<vmem>>, vector<16xi32>,
    tpu.vector_store %arg7[%swap3A_678, %swap3A_679], %mul3A_676 {strides = array<i32>} : memref<5x128xi32, #tpu.memory_space<vmem>>, vector<16xi32>,
    %mul3A_681 = arith.constant 5 : i32
    %mul3A_682 = arith.muli %arg1, %mul3A_681 : i32
    %add3A_683 = arith.constant 4 : i32
    %add3A_684 = arith.addi %mul3A_682, %add3A_683 : i32
    %mul3A_685 = arith.constant 128 : i32
    %mul3A_686 = arith.muli %add3A_684, %mul3A_685 : i32
    %add3A_687 = arith.constant 32 : i32
    %add3A_688 = arith.addi %mul3A_686, %add3A_687 : i32
    %add3A_689 = vector.broadcast %add3A_688 : i32 to vector<16xi32>
    %add3A_690 = arith.addi %add3A_689, %iota3A : vector<16xi32>
    %min3A_691 = arith.constant 9999 : i32
    %min3A_692 = vector.broadcast %min3A_691 : i32 to vector<16xi32>
    %min3A_693 = arith.minsi %add3A_690, %min3A_692 : vector<16xi32>
    %mul3A_694 = arith.constant 128 : i32
    %mul3A_695 = vector.broadcast %mul3A_694 : i32 to vector<16xi32>
    %mul3A_696 = arith.muli %min3A_693, %mul3A_695 : vector<16xi32>
    %swap3A_697 = arith.constant 4 : i32
    %swap3A_698 = arith.index_cast %swap3A_697 : i32 to index
    %swap3A_699 = arith.constant 32 : index
    %swap3A_700 = tpu.vector_load %arg7[%swap3A_698, %swap3A_699] {strides = array<i32>} : memref<5x128xi32, #tpu.memory_space<vmem>>, vector<16xi32>,
    tpu.vector_store %arg7[%swap3A_698, %swap3A_699], %mul3A_696 {strides = array<i32>} : memref<5x128xi32, #tpu.memory_space<vmem>>, vector<16xi32>,
    %mul3A_701 = arith.constant 5 : i32
    %mul3A_702 = arith.muli %arg1, %mul3A_701 : i32
    %add3A_703 = arith.constant 4 : i32
    %add3A_704 = arith.addi %mul3A_702, %add3A_703 : i32
    %mul3A_705 = arith.constant 128 : i32
    %mul3A_706 = arith.muli %add3A_704, %mul3A_705 : i32
    %add3A_707 = arith.constant 48 : i32
    %add3A_708 = arith.addi %mul3A_706, %add3A_707 : i32
    %add3A_709 = vector.broadcast %add3A_708 : i32 to vector<16xi32>
    %add3A_710 = arith.addi %add3A_709, %iota3A : vector<16xi32>
    %min3A_711 = arith.constant 9999 : i32
    %min3A_712 = vector.broadcast %min3A_711 : i32 to vector<16xi32>
    %min3A_713 = arith.minsi %add3A_710, %min3A_712 : vector<16xi32>
    %mul3A_714 = arith.constant 128 : i32
    %mul3A_715 = vector.broadcast %mul3A_714 : i32 to vector<16xi32>
    %mul3A_716 = arith.muli %min3A_713, %mul3A_715 : vector<16xi32>
    %swap3A_717 = arith.constant 4 : i32
    %swap3A_718 = arith.index_cast %swap3A_717 : i32 to index
    %swap3A_719 = arith.constant 48 : index
    %swap3A_720 = tpu.vector_load %arg7[%swap3A_718, %swap3A_719] {strides = array<i32>} : memref<5x128xi32, #tpu.memory_space<vmem>>, vector<16xi32>,
    tpu.vector_store %arg7[%swap3A_718, %swap3A_719], %mul3A_716 {strides = array<i32>} : memref<5x128xi32, #tpu.memory_space<vmem>>, vector<16xi32>,
    %mul3A_721 = arith.constant 5 : i32
    %mul3A_722 = arith.muli %arg1, %mul3A_721 : i32
    %add3A_723 = arith.constant 4 : i32
    %add3A_724 = arith.addi %mul3A_722, %add3A_723 : i32
    %mul3A_725 = arith.constant 128 : i32
    %mul3A_726 = arith.muli %add3A_724, %mul3A_725 : i32
    %add3A_727 = arith.constant 64 : i32
    %add3A_728 = arith.addi %mul3A_726, %add3A_727 : i32
    %add3A_729 = vector.broadcast %add3A_728 : i32 to vector<16xi32>
    %add3A_730 = arith.addi %add3A_729, %iota3A : vector<16xi32>
    %min3A_731 = arith.constant 9999 : i32
    %min3A_732 = vector.broadcast %min3A_731 : i32 to vector<16xi32>
    %min3A_733 = arith.minsi %add3A_730, %min3A_732 : vector<16xi32>
    %mul3A_734 = arith.constant 128 : i32
    %mul3A_735 = vector.broadcast %mul3A_734 : i32 to vector<16xi32>
    %mul3A_736 = arith.muli %min3A_733, %mul3A_735 : vector<16xi32>
    %swap3A_737 = arith.constant 4 : i32
    %swap3A_738 = arith.index_cast %swap3A_737 : i32 to index
    %swap3A_739 = arith.constant 64 : index
    %swap3A_740 = tpu.vector_load %arg7[%swap3A_738, %swap3A_739] {strides = array<i32>} : memref<5x128xi32, #tpu.memory_space<vmem>>, vector<16xi32>,
    tpu.vector_store %arg7[%swap3A_738, %swap3A_739], %mul3A_736 {strides = array<i32>} : memref<5x128xi32, #tpu.memory_space<vmem>>, vector<16xi32>,
    %mul3A_741 = arith.constant 5 : i32
    %mul3A_742 = arith.muli %arg1, %mul3A_741 : i32
    %add3A_743 = arith.constant 4 : i32
    %add3A_744 = arith.addi %mul3A_742, %add3A_743 : i32
    %mul3A_745 = arith.constant 128 : i32
    %mul3A_746 = arith.muli %add3A_744, %mul3A_745 : i32
    %add3A_747 = arith.constant 80 : i32
    %add3A_748 = arith.addi %mul3A_746, %add3A_747 : i32
    %add3A_749 = vector.broadcast %add3A_748 : i32 to vector<16xi32>
    %add3A_750 = arith.addi %add3A_749, %iota3A : vector<16xi32>
    %min3A_751 = arith.constant 9999 : i32
    %min3A_752 = vector.broadcast %min3A_751 : i32 to vector<16xi32>
    %min3A_753 = arith.minsi %add3A_750, %min3A_752 : vector<16xi32>
    %mul3A_754 = arith.constant 128 : i32
    %mul3A_755 = vector.broadcast %mul3A_754 : i32 to vector<16xi32>
    %mul3A_756 = arith.muli %min3A_753, %mul3A_755 : vector<16xi32>
    %swap3A_757 = arith.constant 4 : i32
    %swap3A_758 = arith.index_cast %swap3A_757 : i32 to index
    %swap3A_759 = arith.constant 80 : index
    %swap3A_760 = tpu.vector_load %arg7[%swap3A_758, %swap3A_759] {strides = array<i32>} : memref<5x128xi32, #tpu.memory_space<vmem>>, vector<16xi32>,
    tpu.vector_store %arg7[%swap3A_758, %swap3A_759], %mul3A_756 {strides = array<i32>} : memref<5x128xi32, #tpu.memory_space<vmem>>, vector<16xi32>,
    %mul3A_761 = arith.constant 5 : i32
    %mul3A_762 = arith.muli %arg1, %mul3A_761 : i32
    %add3A_763 = arith.constant 4 : i32
    %add3A_764 = arith.addi %mul3A_762, %add3A_763 : i32
    %mul3A_765 = arith.constant 128 : i32
    %mul3A_766 = arith.muli %add3A_764, %mul3A_765 : i32
    %add3A_767 = arith.constant 96 : i32
    %add3A_768 = arith.addi %mul3A_766, %add3A_767 : i32
    %add3A_769 = vector.broadcast %add3A_768 : i32 to vector<16xi32>
    %add3A_770 = arith.addi %add3A_769, %iota3A : vector<16xi32>
    %min3A_771 = arith.constant 9999 : i32
    %min3A_772 = vector.broadcast %min3A_771 : i32 to vector<16xi32>
    %min3A_773 = arith.minsi %add3A_770, %min3A_772 : vector<16xi32>
    %mul3A_774 = arith.constant 128 : i32
    %mul3A_775 = vector.broadcast %mul3A_774 : i32 to vector<16xi32>
    %mul3A_776 = arith.muli %min3A_773, %mul3A_775 : vector<16xi32>
    %swap3A_777 = arith.constant 4 : i32
    %swap3A_778 = arith.index_cast %swap3A_777 : i32 to index
    %swap3A_779 = arith.constant 96 : index
    %swap3A_780 = tpu.vector_load %arg7[%swap3A_778, %swap3A_779] {strides = array<i32>} : memref<5x128xi32, #tpu.memory_space<vmem>>, vector<16xi32>,
    tpu.vector_store %arg7[%swap3A_778, %swap3A_779], %mul3A_776 {strides = array<i32>} : memref<5x128xi32, #tpu.memory_space<vmem>>, vector<16xi32>,
    %mul3A_781 = arith.constant 5 : i32
    %mul3A_782 = arith.muli %arg1, %mul3A_781 : i32
    %add3A_783 = arith.constant 4 : i32
    %add3A_784 = arith.addi %mul3A_782, %add3A_783 : i32
    %mul3A_785 = arith.constant 128 : i32
    %mul3A_786 = arith.muli %add3A_784, %mul3A_785 : i32
    %add3A_787 = arith.constant 112 : i32
    %add3A_788 = arith.addi %mul3A_786, %add3A_787 : i32
    %add3A_789 = vector.broadcast %add3A_788 : i32 to vector<16xi32>
    %add3A_790 = arith.addi %add3A_789, %iota3A : vector<16xi32>
    %min3A_791 = arith.constant 9999 : i32
    %min3A_792 = vector.broadcast %min3A_791 : i32 to vector<16xi32>
    %min3A_793 = arith.minsi %add3A_790, %min3A_792 : vector<16xi32>
    %mul3A_794 = arith.constant 128 : i32
    %mul3A_795 = vector.broadcast %mul3A_794 : i32 to vector<16xi32>
    %mul3A_796 = arith.muli %min3A_793, %mul3A_795 : vector<16xi32>
    %swap3A_797 = arith.constant 4 : i32
    %swap3A_798 = arith.index_cast %swap3A_797 : i32 to index
    %swap3A_799 = arith.constant 112 : index
    %swap3A_800 = tpu.vector_load %arg7[%swap3A_798, %swap3A_799] {strides = array<i32>} : memref<5x128xi32, #tpu.memory_space<vmem>>, vector<16xi32>,
    tpu.vector_store %arg7[%swap3A_798, %swap3A_799], %mul3A_796 {strides = array<i32>} : memref<5x128xi32, #tpu.memory_space<vmem>>, vector<16xi32>,
    %add3A_801 = arith.constant 0 : i32
    %add3A_802 = arith.addi %mul3A_2, %add3A_801 : i32
    %multiple_of3A = tpu.assume_multiple %add3A_802, 128 : i32
    %dma_start3A = arith.constant 0 : i32
    %dma_start3A_803 = tpu.memref_slice %arg3[%dma_start3A, %multiple_of3A] : memref<2x320000xi32, #tpu.memory_space<hbm>> -> memref<2x1664xi32, #tpu.memory_space<hbm>>
    %dma_start3A_804 = arith.constant 0 : i32
    %dma_start3A_805 = tpu.memref_slice %arg3[%dma_start3A_804, %multiple_of3A] : memref<2x320000xi32, #tpu.memory_space<hbm>> -> memref<2x1664xi32, #tpu.memory_space<hbm>>
    tpu.enqueue_dma source(%dma_start3A_805 : memref<2x1664xi32, #tpu.memory_space<hbm>>) target(%arg9 : memref<2x1664xi32, #tpu.memory_space<vmem>>) target_semaphore(%arg21 : memref<!tpu.dma_semaphore, #tpu.memory_space<semaphore_mem>>)
    %dma_start3A_806 = arith.constant 0 : i32
    %dma_start3A_807 = tpu.memref_slice %arg4[%dma_start3A_806, %multiple_of3A] : memref<4x320000xf32, #tpu.memory_space<hbm>> -> memref<4x1664xf32, #tpu.memory_space<hbm>>
    %dma_start3A_808 = arith.constant 0 : i32
    %dma_start3A_809 = tpu.memref_slice %arg4[%dma_start3A_808, %multiple_of3A] : memref<4x320000xf32, #tpu.memory_space<hbm>> -> memref<4x1664xf32, #tpu.memory_space<hbm>>
    tpu.enqueue_dma source(%dma_start3A_809 : memref<4x1664xf32, #tpu.memory_space<hbm>>) target(%arg11 : memref<4x1664xf32, #tpu.memory_space<vmem>>) target_semaphore(%arg21 : memref<!tpu.dma_semaphore, #tpu.memory_space<semaphore_mem>>)
    %mul3A_810 = arith.constant 5 : i32
    %mul3A_811 = arith.muli %arg1, %mul3A_810 : i32
    %mul3A_812 = arith.constant 128 : i32
    %mul3A_813 = arith.muli %mul3A_811, %mul3A_812 : i32
    %add3A_814 = arith.constant 0 : i32
    %add3A_815 = arith.addi %mul3A_813, %add3A_814 : i32
    %dma_start3A_816 = arith.constant 0 : i32
    %dma_start3A_817 = tpu.memref_slice %arg6[%add3A_815] : memref<10240xf32, #tpu.memory_space<vmem>> -> memref<128xf32, #tpu.memory_space<vmem>>
    %dma_start3A_818 = arith.constant 0 : i32
    %dma_start3A_819 = tpu.memref_slice %arg7[%dma_start3A_816, %dma_start3A_818] : memref<5x128xi32, #tpu.memory_space<vmem>> -> memref<1x128xi32, #tpu.memory_space<vmem>>
    %dma_start3A_820 = tpu.memref_squeeze %dma_start3A_819 : memref<1x128xi32, #tpu.memory_space<vmem>> -> memref<128xi32, #tpu.memory_space<vmem>>
    %dma_start3A_821 = arith.constant 0 : i32
    %dma_start3A_822 = tpu.memref_slice %arg2[%dma_start3A_821] : memref<1280000xf32, #tpu.memory_space<hbm>> -> memref<1280000xf32, #tpu.memory_space<hbm>>
    tpu.enqueue_indirect_dma source(%dma_start3A_822 : memref<1280000xf32, #tpu.memory_space<hbm>>) target(%dma_start3A_817 : memref<128xf32, #tpu.memory_space<vmem>>) offsets(%dma_start3A_820 : memref<128xi32, #tpu.memory_space<vmem>>) semaphore(%arg20 : memref<!tpu.dma_semaphore, #tpu.memory_space<semaphore_mem>>)
    %add3A_823 = arith.constant 128 : i32
    %add3A_824 = arith.addi %mul3A_813, %add3A_823 : i32
    %dma_start3A_825 = arith.constant 1 : i32
    %dma_start3A_826 = tpu.memref_slice %arg6[%add3A_824] : memref<10240xf32, #tpu.memory_space<vmem>> -> memref<128xf32, #tpu.memory_space<vmem>>
    %dma_start3A_827 = arith.constant 0 : i32
    %dma_start3A_828 = tpu.memref_slice %arg7[%dma_start3A_825, %dma_start3A_827] : memref<5x128xi32, #tpu.memory_space<vmem>> -> memref<1x128xi32, #tpu.memory_space<vmem>>
    %dma_start3A_829 = tpu.memref_squeeze %dma_start3A_828 : memref<1x128xi32, #tpu.memory_space<vmem>> -> memref<128xi32, #tpu.memory_space<vmem>>
    %dma_start3A_830 = arith.constant 0 : i32
    %dma_start3A_831 = tpu.memref_slice %arg2[%dma_start3A_830] : memref<1280000xf32, #tpu.memory_space<hbm>> -> memref<1280000xf32, #tpu.memory_space<hbm>>
    tpu.enqueue_indirect_dma source(%dma_start3A_831 : memref<1280000xf32, #tpu.memory_space<hbm>>) target(%dma_start3A_826 : memref<128xf32, #tpu.memory_space<vmem>>) offsets(%dma_start3A_829 : memref<128xi32, #tpu.memory_space<vmem>>) semaphore(%arg20 : memref<!tpu.dma_semaphore, #tpu.memory_space<semaphore_mem>>)
    %add3A_832 = arith.constant 256 : i32
    %add3A_833 = arith.addi %mul3A_813, %add3A_832 : i32
    %dma_start3A_834 = arith.constant 2 : i32
    %dma_start3A_835 = tpu.memref_slice %arg6[%add3A_833] : memref<10240xf32, #tpu.memory_space<vmem>> -> memref<128xf32, #tpu.memory_space<vmem>>
    %dma_start3A_836 = arith.constant 0 : i32
    %dma_start3A_837 = tpu.memref_slice %arg7[%dma_start3A_834, %dma_start3A_836] : memref<5x128xi32, #tpu.memory_space<vmem>> -> memref<1x128xi32, #tpu.memory_space<vmem>>
    %dma_start3A_838 = tpu.memref_squeeze %dma_start3A_837 : memref<1x128xi32, #tpu.memory_space<vmem>> -> memref<128xi32, #tpu.memory_space<vmem>>
    %dma_start3A_839 = arith.constant 0 : i32
    %dma_start3A_840 = tpu.memref_slice %arg2[%dma_start3A_839] : memref<1280000xf32, #tpu.memory_space<hbm>> -> memref<1280000xf32, #tpu.memory_space<hbm>>
    tpu.enqueue_indirect_dma source(%dma_start3A_840 : memref<1280000xf32, #tpu.memory_space<hbm>>) target(%dma_start3A_835 : memref<128xf32, #tpu.memory_space<vmem>>) offsets(%dma_start3A_838 : memref<128xi32, #tpu.memory_space<vmem>>) semaphore(%arg20 : memref<!tpu.dma_semaphore, #tpu.memory_space<semaphore_mem>>)
    %add3A_841 = arith.constant 384 : i32
    %add3A_842 = arith.addi %mul3A_813, %add3A_841 : i32
    %dma_start3A_843 = arith.constant 3 : i32
    %dma_start3A_844 = tpu.memref_slice %arg6[%add3A_842] : memref<10240xf32, #tpu.memory_space<vmem>> -> memref<128xf32, #tpu.memory_space<vmem>>
    %dma_start3A_845 = arith.constant 0 : i32
    %dma_start3A_846 = tpu.memref_slice %arg7[%dma_start3A_843, %dma_start3A_845] : memref<5x128xi32, #tpu.memory_space<vmem>> -> memref<1x128xi32, #tpu.memory_space<vmem>>
    %dma_start3A_847 = tpu.memref_squeeze %dma_start3A_846 : memref<1x128xi32, #tpu.memory_space<vmem>> -> memref<128xi32, #tpu.memory_space<vmem>>
    %dma_start3A_848 = arith.constant 0 : i32
    %dma_start3A_849 = tpu.memref_slice %arg2[%dma_start3A_848] : memref<1280000xf32, #tpu.memory_space<hbm>> -> memref<1280000xf32, #tpu.memory_space<hbm>>
    tpu.enqueue_indirect_dma source(%dma_start3A_849 : memref<1280000xf32, #tpu.memory_space<hbm>>) target(%dma_start3A_844 : memref<128xf32, #tpu.memory_space<vmem>>) offsets(%dma_start3A_847 : memref<128xi32, #tpu.memory_space<vmem>>) semaphore(%arg20 : memref<!tpu.dma_semaphore, #tpu.memory_space<semaphore_mem>>)
    %add3A_850 = arith.constant 512 : i32
    %add3A_851 = arith.addi %mul3A_813, %add3A_850 : i32
    %dma_start3A_852 = arith.constant 4 : i32
    %dma_start3A_853 = tpu.memref_slice %arg6[%add3A_851] : memref<10240xf32, #tpu.memory_space<vmem>> -> memref<128xf32, #tpu.memory_space<vmem>>
    %dma_start3A_854 = arith.constant 0 : i32
    %dma_start3A_855 = tpu.memref_slice %arg7[%dma_start3A_852, %dma_start3A_854] : memref<5x128xi32, #tpu.memory_space<vmem>> -> memref<1x128xi32, #tpu.memory_space<vmem>>
    %dma_start3A_856 = tpu.memref_squeeze %dma_start3A_855 : memref<1x128xi32, #tpu.memory_space<vmem>> -> memref<128xi32, #tpu.memory_space<vmem>>
    %dma_start3A_857 = arith.constant 0 : i32
    %dma_start3A_858 = tpu.memref_slice %arg2[%dma_start3A_857] : memref<1280000xf32, #tpu.memory_space<hbm>> -> memref<1280000xf32, #tpu.memory_space<hbm>>
    tpu.enqueue_indirect_dma source(%dma_start3A_858 : memref<1280000xf32, #tpu.memory_space<hbm>>) target(%dma_start3A_853 : memref<128xf32, #tpu.memory_space<vmem>>) offsets(%dma_start3A_856 : memref<128xi32, #tpu.memory_space<vmem>>) semaphore(%arg20 : memref<!tpu.dma_semaphore, #tpu.memory_space<semaphore_mem>>)
    %add3A_859 = arith.constant 0 : i32
    %add3A_860 = vector.broadcast %add3A_859 : i32 to vector<16xi32>
    %add3A_861 = arith.addi %iota3A, %add3A_860 : vector<16xi32>
    %swap3A_862 = arith.constant 0 : i32
    %swap3A_863 = arith.index_cast %swap3A_862 : i32 to index
    %swap3A_864 = arith.constant 0 : index
    %swap3A_865 = tpu.vector_load %arg16[%swap3A_863, %swap3A_864] {strides = array<i32>} : memref<1x80xi32, #tpu.memory_space<vmem>>, vector<16xi32>,
    tpu.vector_store %arg16[%swap3A_863, %swap3A_864], %add3A_861 {strides = array<i32>} : memref<1x80xi32, #tpu.memory_space<vmem>>, vector<16xi32>,
    %add3A_866 = arith.constant 16 : i32
    %add3A_867 = vector.broadcast %add3A_866 : i32 to vector<16xi32>
    %add3A_868 = arith.addi %iota3A, %add3A_867 : vector<16xi32>
    %swap3A_869 = arith.constant 0 : i32
    %swap3A_870 = arith.index_cast %swap3A_869 : i32 to index
    %swap3A_871 = arith.constant 16 : index
    %swap3A_872 = tpu.vector_load %arg16[%swap3A_870, %swap3A_871] {strides = array<i32>} : memref<1x80xi32, #tpu.memory_space<vmem>>, vector<16xi32>,
    tpu.vector_store %arg16[%swap3A_870, %swap3A_871], %add3A_868 {strides = array<i32>} : memref<1x80xi32, #tpu.memory_space<vmem>>, vector<16xi32>,
    %add3A_873 = arith.constant 32 : i32
    %add3A_874 = vector.broadcast %add3A_873 : i32 to vector<16xi32>
    %add3A_875 = arith.addi %iota3A, %add3A_874 : vector<16xi32>
    %swap3A_876 = arith.constant 0 : i32
    %swap3A_877 = arith.index_cast %swap3A_876 : i32 to index
    %swap3A_878 = arith.constant 32 : index
    %swap3A_879 = tpu.vector_load %arg16[%swap3A_877, %swap3A_878] {strides = array<i32>} : memref<1x80xi32, #tpu.memory_space<vmem>>, vector<16xi32>,
    tpu.vector_store %arg16[%swap3A_877, %swap3A_878], %add3A_875 {strides = array<i32>} : memref<1x80xi32, #tpu.memory_space<vmem>>, vector<16xi32>,
    %add3A_880 = arith.constant 48 : i32
    %add3A_881 = vector.broadcast %add3A_880 : i32 to vector<16xi32>
    %add3A_882 = arith.addi %iota3A, %add3A_881 : vector<16xi32>
    %swap3A_883 = arith.constant 0 : i32
    %swap3A_884 = arith.index_cast %swap3A_883 : i32 to index
    %swap3A_885 = arith.constant 48 : index
    %swap3A_886 = tpu.vector_load %arg16[%swap3A_884, %swap3A_885] {strides = array<i32>} : memref<1x80xi32, #tpu.memory_space<vmem>>, vector<16xi32>,
    tpu.vector_store %arg16[%swap3A_884, %swap3A_885], %add3A_882 {strides = array<i32>} : memref<1x80xi32, #tpu.memory_space<vmem>>, vector<16xi32>,
    %add3A_887 = arith.constant 64 : i32
    %add3A_888 = vector.broadcast %add3A_887 : i32 to vector<16xi32>
    %add3A_889 = arith.addi %iota3A, %add3A_888 : vector<16xi32>
    %swap3A_890 = arith.constant 0 : i32
    %swap3A_891 = arith.index_cast %swap3A_890 : i32 to index
    %swap3A_892 = arith.constant 64 : index
    %swap3A_893 = tpu.vector_load %arg16[%swap3A_891, %swap3A_892] {strides = array<i32>} : memref<1x80xi32, #tpu.memory_space<vmem>>, vector<16xi32>,
    tpu.vector_store %arg16[%swap3A_891, %swap3A_892], %add3A_889 {strides = array<i32>} : memref<1x80xi32, #tpu.memory_space<vmem>>, vector<16xi32>,
    %broadcast_in_dim3A = arith.constant 0.000000e+00 : f32
    %broadcast_in_dim3A_894 = vector.broadcast %broadcast_in_dim3A : f32 to vector<16xf32>
    %parallel_loop3A = arith.constant 0 : i32
    %parallel_loop3A_895 = arith.constant 640 : i32
    %parallel_loop3A_896 = arith.constant 1 : i32
    scf.for %parallel_loop3A_963 = %parallel_loop3A to %parallel_loop3A_895 step %parallel_loop3A_896  : i32 {
      %parallel_loop3A_964 = arith.constant 3 : i32
      %parallel_loop3A_965 = arith.shrui %parallel_loop3A_963, %parallel_loop3A_964 : i32
      %parallel_loop3A_966 = arith.constant 7 : i32
      %parallel_loop3A_967 = arith.andi %parallel_loop3A_963, %parallel_loop3A_966 : i32
      %parallel_loop3A_968 = arith.constant 16 : i32
      %parallel_loop3A_969 = arith.muli %parallel_loop3A_967, %parallel_loop3A_968 : i32
      %parallel_loop3A_970 = arith.index_cast %parallel_loop3A_965 : i32 to index
      %parallel_loop3A_971 = arith.index_cast %parallel_loop3A_969 : i32 to index
      %parallel_loop3A_972 = tpu.vector_load %arg13[%parallel_loop3A_970, %parallel_loop3A_971] {strides = array<i32>} : memref<80x128xf32, #tpu.memory_space<vmem>>, vector<16xf32>,
      tpu.vector_store %arg13[%parallel_loop3A_970, %parallel_loop3A_971], %broadcast_in_dim3A_894 {strides = array<i32>} : memref<80x128xf32, #tpu.memory_space<vmem>>, vector<16xf32>,
      %parallel_loop3A_973 = arith.index_cast %parallel_loop3A_965 : i32 to index
      %parallel_loop3A_974 = arith.index_cast %parallel_loop3A_969 : i32 to index
      %parallel_loop3A_975 = tpu.vector_load %arg14[%parallel_loop3A_973, %parallel_loop3A_974] {strides = array<i32>} : memref<80x128xf32, #tpu.memory_space<vmem>>, vector<16xf32>,
      tpu.vector_store %arg14[%parallel_loop3A_973, %parallel_loop3A_974], %broadcast_in_dim3A_894 {strides = array<i32>} : memref<80x128xf32, #tpu.memory_space<vmem>>, vector<16xf32>,
      %parallel_loop3A_976 = arith.index_cast %parallel_loop3A_965 : i32 to index
      %parallel_loop3A_977 = arith.index_cast %parallel_loop3A_969 : i32 to index
      %parallel_loop3A_978 = tpu.vector_load %arg15[%parallel_loop3A_976, %parallel_loop3A_977] {strides = array<i32>} : memref<80x128xf32, #tpu.memory_space<vmem>>, vector<16xf32>,
      tpu.vector_store %arg15[%parallel_loop3A_976, %parallel_loop3A_977], %broadcast_in_dim3A_894 {strides = array<i32>} : memref<80x128xf32, #tpu.memory_space<vmem>>, vector<16xf32>,
    } {sc.loop_unroll_factor = 8 : i64, sc.parallel_access}
    %eq3A = arith.constant 0 : i32
    %eq3A_897 = arith.cmpi eq, %arg1, %eq3A : i32
    %convert_element_type3A = arith.extui %eq3A_897 : i1 to i32
    %cond3A = arith.constant 0 : i32
    %cond3A_898 = arith.cmpi ne, %convert_element_type3A, %cond3A : i32
    scf.if %cond3A_898 {
      "tpu.region"() ({
        %run_scoped3A_963 = tpu.sem_alloc : memref<!tpu.dma_semaphore, #tpu.memory_space<semaphore_mem>>
        tpu.enqueue_dma source(%arg13 : memref<80x128xf32, #tpu.memory_space<vmem>>) target(%arg17 : memref<80x128xf32, #tpu.memory_space<vmem_shared>>) target_semaphore(%run_scoped3A_963 : memref<!tpu.dma_semaphore, #tpu.memory_space<semaphore_mem>>)
        tpu.wait_dma2 semaphore(%run_scoped3A_963 : memref<!tpu.dma_semaphore, #tpu.memory_space<semaphore_mem>>) src(%arg13 : memref<80x128xf32, #tpu.memory_space<vmem>>) dst(%arg17 : memref<80x128xf32, #tpu.memory_space<vmem_shared>>)
        tpu.yield
      }) : () -> ()
      "tpu.region"() ({
        %run_scoped3A_963 = tpu.sem_alloc : memref<!tpu.dma_semaphore, #tpu.memory_space<semaphore_mem>>
        tpu.enqueue_dma source(%arg14 : memref<80x128xf32, #tpu.memory_space<vmem>>) target(%arg18 : memref<80x128xf32, #tpu.memory_space<vmem_shared>>) target_semaphore(%run_scoped3A_963 : memref<!tpu.dma_semaphore, #tpu.memory_space<semaphore_mem>>)
        tpu.wait_dma2 semaphore(%run_scoped3A_963 : memref<!tpu.dma_semaphore, #tpu.memory_space<semaphore_mem>>) src(%arg14 : memref<80x128xf32, #tpu.memory_space<vmem>>) dst(%arg18 : memref<80x128xf32, #tpu.memory_space<vmem_shared>>)
        tpu.yield
      }) : () -> ()
      "tpu.region"() ({
        %run_scoped3A_963 = tpu.sem_alloc : memref<!tpu.dma_semaphore, #tpu.memory_space<semaphore_mem>>
        tpu.enqueue_dma source(%arg15 : memref<80x128xf32, #tpu.memory_space<vmem>>) target(%arg19 : memref<80x128xf32, #tpu.memory_space<vmem_shared>>) target_semaphore(%run_scoped3A_963 : memref<!tpu.dma_semaphore, #tpu.memory_space<semaphore_mem>>)
        tpu.wait_dma2 semaphore(%run_scoped3A_963 : memref<!tpu.dma_semaphore, #tpu.memory_space<semaphore_mem>>) src(%arg15 : memref<80x128xf32, #tpu.memory_space<vmem>>) dst(%arg19 : memref<80x128xf32, #tpu.memory_space<vmem_shared>>)
        tpu.yield
      }) : () -> ()
    } else {
    }
    %dma_wait3A = arith.constant 0 : i32
    %dma_wait3A_899 = tpu.memref_slice %arg6[%add3A_815] : memref<10240xf32, #tpu.memory_space<vmem>> -> memref<128xf32, #tpu.memory_space<vmem>>
    %dma_wait3A_900 = arith.constant 0 : i32
    %dma_wait3A_901 = tpu.memref_slice %arg7[%dma_wait3A, %dma_wait3A_900] : memref<5x128xi32, #tpu.memory_space<vmem>> -> memref<1x128xi32, #tpu.memory_space<vmem>>
    %dma_wait3A_902 = tpu.memref_squeeze %dma_wait3A_901 : memref<1x128xi32, #tpu.memory_space<vmem>> -> memref<128xi32, #tpu.memory_space<vmem>>
    %dma_wait3A_903 = arith.constant 0 : i32
    %dma_wait3A_904 = tpu.memref_slice %arg2[%dma_wait3A_903] : memref<1280000xf32, #tpu.memory_space<hbm>> -> memref<1280000xf32, #tpu.memory_space<hbm>>
    tpu.wait_indirect_dma semaphore(%arg20 : memref<!tpu.dma_semaphore, #tpu.memory_space<semaphore_mem>>) src(%dma_wait3A_904 : memref<1280000xf32, #tpu.memory_space<hbm>>) dst(%dma_wait3A_899 : memref<128xf32, #tpu.memory_space<vmem>>)
    %dma_wait3A_905 = arith.constant 1 : i32
    %dma_wait3A_906 = tpu.memref_slice %arg6[%add3A_824] : memref<10240xf32, #tpu.memory_space<vmem>> -> memref<128xf32, #tpu.memory_space<vmem>>
    %dma_wait3A_907 = arith.constant 0 : i32
    %dma_wait3A_908 = tpu.memref_slice %arg7[%dma_wait3A_905, %dma_wait3A_907] : memref<5x128xi32, #tpu.memory_space<vmem>> -> memref<1x128xi32, #tpu.memory_space<vmem>>
    %dma_wait3A_909 = tpu.memref_squeeze %dma_wait3A_908 : memref<1x128xi32, #tpu.memory_space<vmem>> -> memref<128xi32, #tpu.memory_space<vmem>>
    %dma_wait3A_910 = arith.constant 0 : i32
    %dma_wait3A_911 = tpu.memref_slice %arg2[%dma_wait3A_910] : memref<1280000xf32, #tpu.memory_space<hbm>> -> memref<1280000xf32, #tpu.memory_space<hbm>>
    tpu.wait_indirect_dma semaphore(%arg20 : memref<!tpu.dma_semaphore, #tpu.memory_space<semaphore_mem>>) src(%dma_wait3A_911 : memref<1280000xf32, #tpu.memory_space<hbm>>) dst(%dma_wait3A_906 : memref<128xf32, #tpu.memory_space<vmem>>)
    %dma_wait3A_912 = arith.constant 2 : i32
    %dma_wait3A_913 = tpu.memref_slice %arg6[%add3A_833] : memref<10240xf32, #tpu.memory_space<vmem>> -> memref<128xf32, #tpu.memory_space<vmem>>
    %dma_wait3A_914 = arith.constant 0 : i32
    %dma_wait3A_915 = tpu.memref_slice %arg7[%dma_wait3A_912, %dma_wait3A_914] : memref<5x128xi32, #tpu.memory_space<vmem>> -> memref<1x128xi32, #tpu.memory_space<vmem>>
    %dma_wait3A_916 = tpu.memref_squeeze %dma_wait3A_915 : memref<1x128xi32, #tpu.memory_space<vmem>> -> memref<128xi32, #tpu.memory_space<vmem>>
    %dma_wait3A_917 = arith.constant 0 : i32
    %dma_wait3A_918 = tpu.memref_slice %arg2[%dma_wait3A_917] : memref<1280000xf32, #tpu.memory_space<hbm>> -> memref<1280000xf32, #tpu.memory_space<hbm>>
    tpu.wait_indirect_dma semaphore(%arg20 : memref<!tpu.dma_semaphore, #tpu.memory_space<semaphore_mem>>) src(%dma_wait3A_918 : memref<1280000xf32, #tpu.memory_space<hbm>>) dst(%dma_wait3A_913 : memref<128xf32, #tpu.memory_space<vmem>>)
    %dma_wait3A_919 = arith.constant 3 : i32
    %dma_wait3A_920 = tpu.memref_slice %arg6[%add3A_842] : memref<10240xf32, #tpu.memory_space<vmem>> -> memref<128xf32, #tpu.memory_space<vmem>>
    %dma_wait3A_921 = arith.constant 0 : i32
    %dma_wait3A_922 = tpu.memref_slice %arg7[%dma_wait3A_919, %dma_wait3A_921] : memref<5x128xi32, #tpu.memory_space<vmem>> -> memref<1x128xi32, #tpu.memory_space<vmem>>
    %dma_wait3A_923 = tpu.memref_squeeze %dma_wait3A_922 : memref<1x128xi32, #tpu.memory_space<vmem>> -> memref<128xi32, #tpu.memory_space<vmem>>
    %dma_wait3A_924 = arith.constant 0 : i32
    %dma_wait3A_925 = tpu.memref_slice %arg2[%dma_wait3A_924] : memref<1280000xf32, #tpu.memory_space<hbm>> -> memref<1280000xf32, #tpu.memory_space<hbm>>
    tpu.wait_indirect_dma semaphore(%arg20 : memref<!tpu.dma_semaphore, #tpu.memory_space<semaphore_mem>>) src(%dma_wait3A_925 : memref<1280000xf32, #tpu.memory_space<hbm>>) dst(%dma_wait3A_920 : memref<128xf32, #tpu.memory_space<vmem>>)
    %dma_wait3A_926 = arith.constant 4 : i32
    %dma_wait3A_927 = tpu.memref_slice %arg6[%add3A_851] : memref<10240xf32, #tpu.memory_space<vmem>> -> memref<128xf32, #tpu.memory_space<vmem>>
    %dma_wait3A_928 = arith.constant 0 : i32
    %dma_wait3A_929 = tpu.memref_slice %arg7[%dma_wait3A_926, %dma_wait3A_928] : memref<5x128xi32, #tpu.memory_space<vmem>> -> memref<1x128xi32, #tpu.memory_space<vmem>>
    %dma_wait3A_930 = tpu.memref_squeeze %dma_wait3A_929 : memref<1x128xi32, #tpu.memory_space<vmem>> -> memref<128xi32, #tpu.memory_space<vmem>>
    %dma_wait3A_931 = arith.constant 0 : i32
    %dma_wait3A_932 = tpu.memref_slice %arg2[%dma_wait3A_931] : memref<1280000xf32, #tpu.memory_space<hbm>> -> memref<1280000xf32, #tpu.memory_space<hbm>>
    tpu.wait_indirect_dma semaphore(%arg20 : memref<!tpu.dma_semaphore, #tpu.memory_space<semaphore_mem>>) src(%dma_wait3A_932 : memref<1280000xf32, #tpu.memory_space<hbm>>) dst(%dma_wait3A_927 : memref<128xf32, #tpu.memory_space<vmem>>)
    "tpu.region"() ({
      %run_scoped3A_963 = tpu.sem_alloc : memref<!tpu.dma_semaphore, #tpu.memory_space<semaphore_mem>>
      %dma_start3A_964 = tpu.memref_slice %arg6[%mul3A_813] : memref<10240xf32, #tpu.memory_space<vmem>> -> memref<640xf32, #tpu.memory_space<vmem>>
      %dma_start3A_965 = tpu.memref_slice %arg8[%mul3A_813] : memref<10240xf32, #tpu.memory_space<vmem_shared>> -> memref<640xf32, #tpu.memory_space<vmem_shared>>
      %dma_start3A_966 = tpu.memref_slice %arg8[%mul3A_813] : memref<10240xf32, #tpu.memory_space<vmem_shared>> -> memref<640xf32, #tpu.memory_space<vmem_shared>>
      %dma_start3A_967 = tpu.memref_slice %arg6[%mul3A_813] : memref<10240xf32, #tpu.memory_space<vmem>> -> memref<640xf32, #tpu.memory_space<vmem>>
      tpu.enqueue_dma source(%dma_start3A_967 : memref<640xf32, #tpu.memory_space<vmem>>) target(%dma_start3A_966 : memref<640xf32, #tpu.memory_space<vmem_shared>>) target_semaphore(%run_scoped3A_963 : memref<!tpu.dma_semaphore, #tpu.memory_space<semaphore_mem>>)
      %dma_wait3A_968 = tpu.memref_slice %arg6[%mul3A_813] : memref<10240xf32, #tpu.memory_space<vmem>> -> memref<640xf32, #tpu.memory_space<vmem>>
      %dma_wait3A_969 = tpu.memref_slice %arg8[%mul3A_813] : memref<10240xf32, #tpu.memory_space<vmem_shared>> -> memref<640xf32, #tpu.memory_space<vmem_shared>>
      %dma_wait3A_970 = tpu.memref_slice %arg8[%mul3A_813] : memref<10240xf32, #tpu.memory_space<vmem_shared>> -> memref<640xf32, #tpu.memory_space<vmem_shared>>
      %dma_wait3A_971 = tpu.memref_slice %arg6[%mul3A_813] : memref<10240xf32, #tpu.memory_space<vmem>> -> memref<640xf32, #tpu.memory_space<vmem>>
      tpu.wait_dma2 semaphore(%run_scoped3A_963 : memref<!tpu.dma_semaphore, #tpu.memory_space<semaphore_mem>>) src(%dma_wait3A_971 : memref<640xf32, #tpu.memory_space<vmem>>) dst(%dma_wait3A_970 : memref<640xf32, #tpu.memory_space<vmem_shared>>)
      tpu.yield
    }) : () -> ()
    %barrier3A = arith.constant 0 : index
    tpu.barrier barrier_id(%barrier3A)
    "tpu.region"() ({
      %run_scoped3A_963 = tpu.sem_alloc : memref<!tpu.dma_semaphore, #tpu.memory_space<semaphore_mem>>
      tpu.enqueue_dma source(%arg8 : memref<10240xf32, #tpu.memory_space<vmem_shared>>) target(%arg6 : memref<10240xf32, #tpu.memory_space<vmem>>) target_semaphore(%run_scoped3A_963 : memref<!tpu.dma_semaphore, #tpu.memory_space<semaphore_mem>>)
      tpu.wait_dma2 semaphore(%run_scoped3A_963 : memref<!tpu.dma_semaphore, #tpu.memory_space<semaphore_mem>>) src(%arg8 : memref<10240xf32, #tpu.memory_space<vmem_shared>>) dst(%arg6 : memref<10240xf32, #tpu.memory_space<vmem>>)
      tpu.yield
    }) : () -> ()
    %broadcast_in_dim3A_933 = arith.constant 1.000000e+00 : f32
    %broadcast_in_dim3A_934 = vector.broadcast %broadcast_in_dim3A_933 : f32 to vector<16xf32>
    %add3A_935 = arith.constant 1664 : i32
    %add3A_936 = arith.addi %mul3A_2, %add3A_935 : i32
    %multiple_of3A_937 = tpu.assume_multiple %add3A_936, 128 : i32
    %dma_start3A_938 = arith.constant 0 : i32
    %dma_start3A_939 = tpu.memref_slice %arg3[%dma_start3A_938, %multiple_of3A_937] : memref<2x320000xi32, #tpu.memory_space<hbm>> -> memref<2x1664xi32, #tpu.memory_space<hbm>>
    %dma_start3A_940 = arith.constant 0 : i32
    %dma_start3A_941 = tpu.memref_slice %arg3[%dma_start3A_940, %multiple_of3A_937] : memref<2x320000xi32, #tpu.memory_space<hbm>> -> memref<2x1664xi32, #tpu.memory_space<hbm>>
    tpu.enqueue_dma source(%dma_start3A_941 : memref<2x1664xi32, #tpu.memory_space<hbm>>) target(%arg10 : memref<2x1664xi32, #tpu.memory_space<vmem>>) target_semaphore(%arg22 : memref<!tpu.dma_semaphore, #tpu.memory_space<semaphore_mem>>)
    %dma_start3A_942 = arith.constant 0 : i32
    %dma_start3A_943 = tpu.memref_slice %arg4[%dma_start3A_942, %multiple_of3A_937] : memref<4x320000xf32, #tpu.memory_space<hbm>> -> memref<4x1664xf32, #tpu.memory_space<hbm>>
    %dma_start3A_944 = arith.constant 0 : i32
    %dma_start3A_945 = tpu.memref_slice %arg4[%dma_start3A_944, %multiple_of3A_937] : memref<4x320000xf32, #tpu.memory_space<hbm>> -> memref<4x1664xf32, #tpu.memory_space<hbm>>
    tpu.enqueue_dma source(%dma_start3A_945 : memref<4x1664xf32, #tpu.memory_space<hbm>>) target(%arg12 : memref<4x1664xf32, #tpu.memory_space<vmem>>) target_semaphore(%arg22 : memref<!tpu.dma_semaphore, #tpu.memory_space<semaphore_mem>>)
    %scan3A = arith.constant 0 : i32
    %scan3A_946 = arith.constant 3 : i32
    %scan3A_947 = arith.addi %scan3A, %scan3A_946 : i32
    %scan3A_948 = arith.constant 1 : i32
    scf.for %scan3A_963 = %scan3A to %scan3A_947 step %scan3A_948  : i32 {
      %mul3A_964 = arith.constant 1 : i32
      %mul3A_965 = arith.muli %scan3A_963, %mul3A_964 : i32
      %add3A_966 = arith.constant 0 : i32
      %add3A_967 = arith.addi %add3A_966, %mul3A_965 : i32
      %mul3A_968 = arith.constant 2 : i32
      %mul3A_969 = arith.muli %add3A_967, %mul3A_968 : i32
      %add3A_970 = arith.constant 0 : i32
      %add3A_971 = arith.addi %mul3A_969, %add3A_970 : i32
      %dma_wait3A_972 = arith.constant 0 : i32
      %dma_wait3A_973 = arith.constant 0 : i32
      %dma_wait3A_974 = tpu.memref_slice %arg3[%dma_wait3A_972, %dma_wait3A_973] : memref<2x320000xi32, #tpu.memory_space<hbm>> -> memref<2x1664xi32, #tpu.memory_space<hbm>>
      %dma_wait3A_975 = arith.constant 0 : i32
      %dma_wait3A_976 = arith.constant 0 : i32
      %dma_wait3A_977 = tpu.memref_slice %arg3[%dma_wait3A_975, %dma_wait3A_976] : memref<2x320000xi32, #tpu.memory_space<hbm>> -> memref<2x1664xi32, #tpu.memory_space<hbm>>
      tpu.wait_dma2 semaphore(%arg21 : memref<!tpu.dma_semaphore, #tpu.memory_space<semaphore_mem>>) src(%dma_wait3A_977 : memref<2x1664xi32, #tpu.memory_space<hbm>>) dst(%arg9 : memref<2x1664xi32, #tpu.memory_space<vmem>>)
      %dma_wait3A_978 = arith.constant 0 : i32
      %dma_wait3A_979 = arith.constant 0 : i32
      %dma_wait3A_980 = tpu.memref_slice %arg4[%dma_wait3A_978, %dma_wait3A_979] : memref<4x320000xf32, #tpu.memory_space<hbm>> -> memref<4x1664xf32, #tpu.memory_space<hbm>>
      %dma_wait3A_981 = arith.constant 0 : i32
      %dma_wait3A_982 = arith.constant 0 : i32
      %dma_wait3A_983 = tpu.memref_slice %arg4[%dma_wait3A_981, %dma_wait3A_982] : memref<4x320000xf32, #tpu.memory_space<hbm>> -> memref<4x1664xf32, #tpu.memory_space<hbm>>
      tpu.wait_dma2 semaphore(%arg21 : memref<!tpu.dma_semaphore, #tpu.memory_space<semaphore_mem>>) src(%dma_wait3A_983 : memref<4x1664xf32, #tpu.memory_space<hbm>>) dst(%arg11 : memref<4x1664xf32, #tpu.memory_space<vmem>>)
      %parallel_loop3A_984 = arith.constant 0 : i32
      %parallel_loop3A_985 = arith.constant 104 : i32
      %parallel_loop3A_986 = arith.constant 1 : i32
      scf.for %parallel_loop3A_1019 = %parallel_loop3A_984 to %parallel_loop3A_985 step %parallel_loop3A_986  : i32 {
        %parallel_loop3A_1020 = arith.constant 16 : i32
        %parallel_loop3A_1021 = arith.muli %parallel_loop3A_1019, %parallel_loop3A_1020 : i32
        %parallel_loop3A_1022 = tpu.assume_multiple %parallel_loop3A_1021, 16 : i32
        %parallel_loop3A_1023 = arith.constant 0 : i32
        %parallel_loop3A_1024 = arith.index_cast %parallel_loop3A_1023 : i32 to index
        %parallel_loop3A_1025 = arith.index_cast %parallel_loop3A_1022 : i32 to index
        %parallel_loop3A_1026 = tpu.vector_load %arg9[%parallel_loop3A_1024, %parallel_loop3A_1025] {strides = array<i32>} : memref<2x1664xi32, #tpu.memory_space<vmem>>, vector<16xi32>,
        %parallel_loop3A_1027 = arith.constant 1 : i32
        %parallel_loop3A_1028 = arith.index_cast %parallel_loop3A_1027 : i32 to index
        %parallel_loop3A_1029 = arith.index_cast %parallel_loop3A_1022 : i32 to index
        %parallel_loop3A_1030 = tpu.vector_load %arg9[%parallel_loop3A_1028, %parallel_loop3A_1029] {strides = array<i32>} : memref<2x1664xi32, #tpu.memory_space<vmem>>, vector<16xi32>,
        %parallel_loop3A_1031 = tpu.vector_load_idx %arg6[%parallel_loop3A_1026] : memref<10240xf32, #tpu.memory_space<vmem>>[vector<16xi32>], vector<16xf32>,
        %parallel_loop3A_1032 = tpu.vector_load_idx %arg6[%parallel_loop3A_1030] : memref<10240xf32, #tpu.memory_space<vmem>>[vector<16xi32>], vector<16xf32>,
        %parallel_loop3A_1033 = arith.subf %parallel_loop3A_1032, %parallel_loop3A_1031 : vector<16xf32>
        %parallel_loop3A_1034 = arith.constant 0 : i32
        %parallel_loop3A_1035 = arith.index_cast %parallel_loop3A_1034 : i32 to index
        %parallel_loop3A_1036 = arith.index_cast %parallel_loop3A_1022 : i32 to index
        %parallel_loop3A_1037 = tpu.vector_load %arg11[%parallel_loop3A_1035, %parallel_loop3A_1036] {strides = array<i32>} : memref<4x1664xf32, #tpu.memory_space<vmem>>, vector<16xf32>,
        %parallel_loop3A_1038 = arith.constant 1 : i32
        %parallel_loop3A_1039 = arith.index_cast %parallel_loop3A_1038 : i32 to index
        %parallel_loop3A_1040 = arith.index_cast %parallel_loop3A_1022 : i32 to index
        %parallel_loop3A_1041 = tpu.vector_load %arg11[%parallel_loop3A_1039, %parallel_loop3A_1040] {strides = array<i32>} : memref<4x1664xf32, #tpu.memory_space<vmem>>, vector<16xf32>,
        %parallel_loop3A_1042 = arith.constant 7 : i32
        %parallel_loop3A_1043 = vector.broadcast %parallel_loop3A_1042 : i32 to vector<16xi32>
        %parallel_loop3A_1044 = arith.shrui %parallel_loop3A_1030, %parallel_loop3A_1043 : vector<16xi32>
        %parallel_loop3A_1045 = arith.constant 127 : i32
        %parallel_loop3A_1046 = vector.broadcast %parallel_loop3A_1045 : i32 to vector<16xi32>
        %parallel_loop3A_1047 = arith.andi %parallel_loop3A_1030, %parallel_loop3A_1046 : vector<16xi32>
        %parallel_loop3A_1048 = arith.divf %parallel_loop3A_1033, %parallel_loop3A_1037 : vector<16xf32>
        tpu.vector_store_idx %arg13[%parallel_loop3A_1044, %parallel_loop3A_1047], %parallel_loop3A_1048 {add = true} : memref<80x128xf32, #tpu.memory_space<vmem>>[vector<16xi32>, vector<16xi32>], vector<16xf32>,
        %parallel_loop3A_1049 = arith.divf %parallel_loop3A_1033, %parallel_loop3A_1041 : vector<16xf32>
        tpu.vector_store_idx %arg14[%parallel_loop3A_1044, %parallel_loop3A_1047], %parallel_loop3A_1049 {add = true} : memref<80x128xf32, #tpu.memory_space<vmem>>[vector<16xi32>, vector<16xi32>], vector<16xf32>,
        tpu.vector_store_idx %arg15[%parallel_loop3A_1044, %parallel_loop3A_1047], %broadcast_in_dim3A_934 {add = true} : memref<80x128xf32, #tpu.memory_space<vmem>>[vector<16xi32>, vector<16xi32>], vector<16xf32>,
      } {sc.loop_unroll_factor = 8 : i64, sc.parallel_access}
      %add3A_987 = arith.constant 2 : i32
      %add3A_988 = arith.addi %add3A_971, %add3A_987 : i32
      %lt3A = arith.constant 6 : i32
      %lt3A_989 = arith.cmpi slt, %add3A_988, %lt3A : i32
      %convert_element_type3A_990 = arith.extui %lt3A_989 : i1 to i32
      %cond3A_991 = arith.constant 0 : i32
      %cond3A_992 = arith.cmpi ne, %convert_element_type3A_990, %cond3A_991 : i32
      scf.if %cond3A_992 {
        %add3A_1019 = arith.constant 2 : i32
        %add3A_1020 = arith.addi %add3A_971, %add3A_1019 : i32
        %mul3A_1021 = arith.constant 1664 : i32
        %mul3A_1022 = arith.muli %add3A_1020, %mul3A_1021 : i32
        %add3A_1023 = arith.addi %mul3A_2, %mul3A_1022 : i32
        %multiple_of3A_1024 = tpu.assume_multiple %add3A_1023, 128 : i32
        %dma_start3A_1025 = arith.constant 0 : i32
        %dma_start3A_1026 = tpu.memref_slice %arg3[%dma_start3A_1025, %multiple_of3A_1024] : memref<2x320000xi32, #tpu.memory_space<hbm>> -> memref<2x1664xi32, #tpu.memory_space<hbm>>
        %dma_start3A_1027 = arith.constant 0 : i32
        %dma_start3A_1028 = tpu.memref_slice %arg3[%dma_start3A_1027, %multiple_of3A_1024] : memref<2x320000xi32, #tpu.memory_space<hbm>> -> memref<2x1664xi32, #tpu.memory_space<hbm>>
        tpu.enqueue_dma source(%dma_start3A_1028 : memref<2x1664xi32, #tpu.memory_space<hbm>>) target(%arg9 : memref<2x1664xi32, #tpu.memory_space<vmem>>) target_semaphore(%arg21 : memref<!tpu.dma_semaphore, #tpu.memory_space<semaphore_mem>>)
        %dma_start3A_1029 = arith.constant 0 : i32
        %dma_start3A_1030 = tpu.memref_slice %arg4[%dma_start3A_1029, %multiple_of3A_1024] : memref<4x320000xf32, #tpu.memory_space<hbm>> -> memref<4x1664xf32, #tpu.memory_space<hbm>>
        %dma_start3A_1031 = arith.constant 0 : i32
        %dma_start3A_1032 = tpu.memref_slice %arg4[%dma_start3A_1031, %multiple_of3A_1024] : memref<4x320000xf32, #tpu.memory_space<hbm>> -> memref<4x1664xf32, #tpu.memory_space<hbm>>
        tpu.enqueue_dma source(%dma_start3A_1032 : memref<4x1664xf32, #tpu.memory_space<hbm>>) target(%arg11 : memref<4x1664xf32, #tpu.memory_space<vmem>>) target_semaphore(%arg21 : memref<!tpu.dma_semaphore, #tpu.memory_space<semaphore_mem>>)
      } else {
      }
      %mul3A_993 = arith.constant 2 : i32
      %mul3A_994 = arith.muli %add3A_967, %mul3A_993 : i32
      %add3A_995 = arith.constant 1 : i32
      %add3A_996 = arith.addi %mul3A_994, %add3A_995 : i32
      %dma_wait3A_997 = arith.constant 0 : i32
      %dma_wait3A_998 = arith.constant 0 : i32
      %dma_wait3A_999 = tpu.memref_slice %arg3[%dma_wait3A_997, %dma_wait3A_998] : memref<2x320000xi32, #tpu.memory_space<hbm>> -> memref<2x1664xi32, #tpu.memory_space<hbm>>
      %dma_wait3A_1000 = arith.constant 0 : i32
      %dma_wait3A_1001 = arith.constant 0 : i32
      %dma_wait3A_1002 = tpu.memref_slice %arg3[%dma_wait3A_1000, %dma_wait3A_1001] : memref<2x320000xi32, #tpu.memory_space<hbm>> -> memref<2x1664xi32, #tpu.memory_space<hbm>>
      tpu.wait_dma2 semaphore(%arg22 : memref<!tpu.dma_semaphore, #tpu.memory_space<semaphore_mem>>) src(%dma_wait3A_1002 : memref<2x1664xi32, #tpu.memory_space<hbm>>) dst(%arg10 : memref<2x1664xi32, #tpu.memory_space<vmem>>)
      %dma_wait3A_1003 = arith.constant 0 : i32
      %dma_wait3A_1004 = arith.constant 0 : i32
      %dma_wait3A_1005 = tpu.memref_slice %arg4[%dma_wait3A_1003, %dma_wait3A_1004] : memref<4x320000xf32, #tpu.memory_space<hbm>> -> memref<4x1664xf32, #tpu.memory_space<hbm>>
      %dma_wait3A_1006 = arith.constant 0 : i32
      %dma_wait3A_1007 = arith.constant 0 : i32
      %dma_wait3A_1008 = tpu.memref_slice %arg4[%dma_wait3A_1006, %dma_wait3A_1007] : memref<4x320000xf32, #tpu.memory_space<hbm>> -> memref<4x1664xf32, #tpu.memory_space<hbm>>
      tpu.wait_dma2 semaphore(%arg22 : memref<!tpu.dma_semaphore, #tpu.memory_space<semaphore_mem>>) src(%dma_wait3A_1008 : memref<4x1664xf32, #tpu.memory_space<hbm>>) dst(%arg12 : memref<4x1664xf32, #tpu.memory_space<vmem>>)
      %parallel_loop3A_1009 = arith.constant 0 : i32
      %parallel_loop3A_1010 = arith.constant 104 : i32
      %parallel_loop3A_1011 = arith.constant 1 : i32
      scf.for %parallel_loop3A_1019 = %parallel_loop3A_1009 to %parallel_loop3A_1010 step %parallel_loop3A_1011  : i32 {
        %parallel_loop3A_1020 = arith.constant 16 : i32
        %parallel_loop3A_1021 = arith.muli %parallel_loop3A_1019, %parallel_loop3A_1020 : i32
        %parallel_loop3A_1022 = tpu.assume_multiple %parallel_loop3A_1021, 16 : i32
        %parallel_loop3A_1023 = arith.constant 0 : i32
        %parallel_loop3A_1024 = arith.index_cast %parallel_loop3A_1023 : i32 to index
        %parallel_loop3A_1025 = arith.index_cast %parallel_loop3A_1022 : i32 to index
        %parallel_loop3A_1026 = tpu.vector_load %arg10[%parallel_loop3A_1024, %parallel_loop3A_1025] {strides = array<i32>} : memref<2x1664xi32, #tpu.memory_space<vmem>>, vector<16xi32>,
        %parallel_loop3A_1027 = arith.constant 1 : i32
        %parallel_loop3A_1028 = arith.index_cast %parallel_loop3A_1027 : i32 to index
        %parallel_loop3A_1029 = arith.index_cast %parallel_loop3A_1022 : i32 to index
        %parallel_loop3A_1030 = tpu.vector_load %arg10[%parallel_loop3A_1028, %parallel_loop3A_1029] {strides = array<i32>} : memref<2x1664xi32, #tpu.memory_space<vmem>>, vector<16xi32>,
        %parallel_loop3A_1031 = tpu.vector_load_idx %arg6[%parallel_loop3A_1026] : memref<10240xf32, #tpu.memory_space<vmem>>[vector<16xi32>], vector<16xf32>,
        %parallel_loop3A_1032 = tpu.vector_load_idx %arg6[%parallel_loop3A_1030] : memref<10240xf32, #tpu.memory_space<vmem>>[vector<16xi32>], vector<16xf32>,
        %parallel_loop3A_1033 = arith.subf %parallel_loop3A_1032, %parallel_loop3A_1031 : vector<16xf32>
        %parallel_loop3A_1034 = arith.constant 0 : i32
        %parallel_loop3A_1035 = arith.index_cast %parallel_loop3A_1034 : i32 to index
        %parallel_loop3A_1036 = arith.index_cast %parallel_loop3A_1022 : i32 to index
        %parallel_loop3A_1037 = tpu.vector_load %arg12[%parallel_loop3A_1035, %parallel_loop3A_1036] {strides = array<i32>} : memref<4x1664xf32, #tpu.memory_space<vmem>>, vector<16xf32>,
        %parallel_loop3A_1038 = arith.constant 1 : i32
        %parallel_loop3A_1039 = arith.index_cast %parallel_loop3A_1038 : i32 to index
        %parallel_loop3A_1040 = arith.index_cast %parallel_loop3A_1022 : i32 to index
        %parallel_loop3A_1041 = tpu.vector_load %arg12[%parallel_loop3A_1039, %parallel_loop3A_1040] {strides = array<i32>} : memref<4x1664xf32, #tpu.memory_space<vmem>>, vector<16xf32>,
        %parallel_loop3A_1042 = arith.constant 7 : i32
        %parallel_loop3A_1043 = vector.broadcast %parallel_loop3A_1042 : i32 to vector<16xi32>
        %parallel_loop3A_1044 = arith.shrui %parallel_loop3A_1030, %parallel_loop3A_1043 : vector<16xi32>
        %parallel_loop3A_1045 = arith.constant 127 : i32
        %parallel_loop3A_1046 = vector.broadcast %parallel_loop3A_1045 : i32 to vector<16xi32>
        %parallel_loop3A_1047 = arith.andi %parallel_loop3A_1030, %parallel_loop3A_1046 : vector<16xi32>
        %parallel_loop3A_1048 = arith.divf %parallel_loop3A_1033, %parallel_loop3A_1037 : vector<16xf32>
        tpu.vector_store_idx %arg13[%parallel_loop3A_1044, %parallel_loop3A_1047], %parallel_loop3A_1048 {add = true} : memref<80x128xf32, #tpu.memory_space<vmem>>[vector<16xi32>, vector<16xi32>], vector<16xf32>,
        %parallel_loop3A_1049 = arith.divf %parallel_loop3A_1033, %parallel_loop3A_1041 : vector<16xf32>
        tpu.vector_store_idx %arg14[%parallel_loop3A_1044, %parallel_loop3A_1047], %parallel_loop3A_1049 {add = true} : memref<80x128xf32, #tpu.memory_space<vmem>>[vector<16xi32>, vector<16xi32>], vector<16xf32>,
        tpu.vector_store_idx %arg15[%parallel_loop3A_1044, %parallel_loop3A_1047], %broadcast_in_dim3A_934 {add = true} : memref<80x128xf32, #tpu.memory_space<vmem>>[vector<16xi32>, vector<16xi32>], vector<16xf32>,
      } {sc.loop_unroll_factor = 8 : i64, sc.parallel_access}
      %add3A_1012 = arith.constant 2 : i32
      %add3A_1013 = arith.addi %add3A_996, %add3A_1012 : i32
      %lt3A_1014 = arith.constant 6 : i32
      %lt3A_1015 = arith.cmpi slt, %add3A_1013, %lt3A_1014 : i32
      %convert_element_type3A_1016 = arith.extui %lt3A_1015 : i1 to i32
      %cond3A_1017 = arith.constant 0 : i32
      %cond3A_1018 = arith.cmpi ne, %convert_element_type3A_1016, %cond3A_1017 : i32
      scf.if %cond3A_1018 {
        %add3A_1019 = arith.constant 2 : i32
        %add3A_1020 = arith.addi %add3A_996, %add3A_1019 : i32
        %mul3A_1021 = arith.constant 1664 : i32
        %mul3A_1022 = arith.muli %add3A_1020, %mul3A_1021 : i32
        %add3A_1023 = arith.addi %mul3A_2, %mul3A_1022 : i32
        %multiple_of3A_1024 = tpu.assume_multiple %add3A_1023, 128 : i32
        %dma_start3A_1025 = arith.constant 0 : i32
        %dma_start3A_1026 = tpu.memref_slice %arg3[%dma_start3A_1025, %multiple_of3A_1024] : memref<2x320000xi32, #tpu.memory_space<hbm>> -> memref<2x1664xi32, #tpu.memory_space<hbm>>
        %dma_start3A_1027 = arith.constant 0 : i32
        %dma_start3A_1028 = tpu.memref_slice %arg3[%dma_start3A_1027, %multiple_of3A_1024] : memref<2x320000xi32, #tpu.memory_space<hbm>> -> memref<2x1664xi32, #tpu.memory_space<hbm>>
        tpu.enqueue_dma source(%dma_start3A_1028 : memref<2x1664xi32, #tpu.memory_space<hbm>>) target(%arg10 : memref<2x1664xi32, #tpu.memory_space<vmem>>) target_semaphore(%arg22 : memref<!tpu.dma_semaphore, #tpu.memory_space<semaphore_mem>>)
        %dma_start3A_1029 = arith.constant 0 : i32
        %dma_start3A_1030 = tpu.memref_slice %arg4[%dma_start3A_1029, %multiple_of3A_1024] : memref<4x320000xf32, #tpu.memory_space<hbm>> -> memref<4x1664xf32, #tpu.memory_space<hbm>>
        %dma_start3A_1031 = arith.constant 0 : i32
        %dma_start3A_1032 = tpu.memref_slice %arg4[%dma_start3A_1031, %multiple_of3A_1024] : memref<4x320000xf32, #tpu.memory_space<hbm>> -> memref<4x1664xf32, #tpu.memory_space<hbm>>
        tpu.enqueue_dma source(%dma_start3A_1032 : memref<4x1664xf32, #tpu.memory_space<hbm>>) target(%arg12 : memref<4x1664xf32, #tpu.memory_space<vmem>>) target_semaphore(%arg22 : memref<!tpu.dma_semaphore, #tpu.memory_space<semaphore_mem>>)
      } else {
      }
    }
    %scan3A_949 = arith.constant 3 : i32
    %eq3A_950 = arith.constant 31 : i32
    %eq3A_951 = arith.cmpi eq, %add3A, %eq3A_950 : i32
    %convert_element_type3A_952 = arith.extui %eq3A_951 : i1 to i32
    %cond3A_953 = arith.constant 0 : i32
    %cond3A_954 = arith.cmpi ne, %convert_element_type3A_952, %cond3A_953 : i32
    scf.if %cond3A_954 {
      "tpu.region"() ({
        %run_scoped3A_966 = tpu.sem_alloc : memref<!tpu.dma_semaphore, #tpu.memory_space<semaphore_mem>>
        %dma_start3A_967 = arith.constant 0 : i32
        %dma_start3A_968 = arith.constant 0 : i32
        %dma_start3A_969 = tpu.memref_slice %arg9[%dma_start3A_967, %dma_start3A_968] : memref<2x1664xi32, #tpu.memory_space<vmem>> -> memref<2x512xi32, #tpu.memory_space<vmem>>
        %dma_start3A_970 = arith.constant 0 : i32
        %dma_start3A_971 = arith.constant 319488 : i32
        %dma_start3A_972 = tpu.memref_slice %arg3[%dma_start3A_970, %dma_start3A_971] : memref<2x320000xi32, #tpu.memory_space<hbm>> -> memref<2x512xi32, #tpu.memory_space<hbm>>
        %dma_start3A_973 = arith.constant 0 : i32
        %dma_start3A_974 = arith.constant 0 : i32
        %dma_start3A_975 = tpu.memref_slice %arg9[%dma_start3A_973, %dma_start3A_974] : memref<2x1664xi32, #tpu.memory_space<vmem>> -> memref<2x512xi32, #tpu.memory_space<vmem>>
        %dma_start3A_976 = arith.constant 0 : i32
        %dma_start3A_977 = arith.constant 319488 : i32
        %dma_start3A_978 = tpu.memref_slice %arg3[%dma_start3A_976, %dma_start3A_977] : memref<2x320000xi32, #tpu.memory_space<hbm>> -> memref<2x512xi32, #tpu.memory_space<hbm>>
        tpu.enqueue_dma source(%dma_start3A_978 : memref<2x512xi32, #tpu.memory_space<hbm>>) target(%dma_start3A_975 : memref<2x512xi32, #tpu.memory_space<vmem>>) target_semaphore(%run_scoped3A_966 : memref<!tpu.dma_semaphore, #tpu.memory_space<semaphore_mem>>)
        %dma_wait3A_979 = arith.constant 0 : i32
        %dma_wait3A_980 = arith.constant 0 : i32
        %dma_wait3A_981 = tpu.memref_slice %arg9[%dma_wait3A_979, %dma_wait3A_980] : memref<2x1664xi32, #tpu.memory_space<vmem>> -> memref<2x512xi32, #tpu.memory_space<vmem>>
        %dma_wait3A_982 = arith.constant 0 : i32
        %dma_wait3A_983 = arith.constant 319488 : i32
        %dma_wait3A_984 = tpu.memref_slice %arg3[%dma_wait3A_982, %dma_wait3A_983] : memref<2x320000xi32, #tpu.memory_space<hbm>> -> memref<2x512xi32, #tpu.memory_space<hbm>>
        %dma_wait3A_985 = arith.constant 0 : i32
        %dma_wait3A_986 = arith.constant 0 : i32
        %dma_wait3A_987 = tpu.memref_slice %arg9[%dma_wait3A_985, %dma_wait3A_986] : memref<2x1664xi32, #tpu.memory_space<vmem>> -> memref<2x512xi32, #tpu.memory_space<vmem>>
        %dma_wait3A_988 = arith.constant 0 : i32
        %dma_wait3A_989 = arith.constant 319488 : i32
        %dma_wait3A_990 = tpu.memref_slice %arg3[%dma_wait3A_988, %dma_wait3A_989] : memref<2x320000xi32, #tpu.memory_space<hbm>> -> memref<2x512xi32, #tpu.memory_space<hbm>>
        tpu.wait_dma2 semaphore(%run_scoped3A_966 : memref<!tpu.dma_semaphore, #tpu.memory_space<semaphore_mem>>) src(%dma_wait3A_990 : memref<2x512xi32, #tpu.memory_space<hbm>>) dst(%dma_wait3A_987 : memref<2x512xi32, #tpu.memory_space<vmem>>)
        tpu.yield
      }) : () -> ()
      "tpu.region"() ({
        %run_scoped3A_966 = tpu.sem_alloc : memref<!tpu.dma_semaphore, #tpu.memory_space<semaphore_mem>>
        %dma_start3A_967 = arith.constant 0 : i32
        %dma_start3A_968 = arith.constant 0 : i32
        %dma_start3A_969 = tpu.memref_slice %arg11[%dma_start3A_967, %dma_start3A_968] : memref<4x1664xf32, #tpu.memory_space<vmem>> -> memref<4x512xf32, #tpu.memory_space<vmem>>
        %dma_start3A_970 = arith.constant 0 : i32
        %dma_start3A_971 = arith.constant 319488 : i32
        %dma_start3A_972 = tpu.memref_slice %arg4[%dma_start3A_970, %dma_start3A_971] : memref<4x320000xf32, #tpu.memory_space<hbm>> -> memref<4x512xf32, #tpu.memory_space<hbm>>
        %dma_start3A_973 = arith.constant 0 : i32
        %dma_start3A_974 = arith.constant 0 : i32
        %dma_start3A_975 = tpu.memref_slice %arg11[%dma_start3A_973, %dma_start3A_974] : memref<4x1664xf32, #tpu.memory_space<vmem>> -> memref<4x512xf32, #tpu.memory_space<vmem>>
        %dma_start3A_976 = arith.constant 0 : i32
        %dma_start3A_977 = arith.constant 319488 : i32
        %dma_start3A_978 = tpu.memref_slice %arg4[%dma_start3A_976, %dma_start3A_977] : memref<4x320000xf32, #tpu.memory_space<hbm>> -> memref<4x512xf32, #tpu.memory_space<hbm>>
        tpu.enqueue_dma source(%dma_start3A_978 : memref<4x512xf32, #tpu.memory_space<hbm>>) target(%dma_start3A_975 : memref<4x512xf32, #tpu.memory_space<vmem>>) target_semaphore(%run_scoped3A_966 : memref<!tpu.dma_semaphore, #tpu.memory_space<semaphore_mem>>)
        %dma_wait3A_979 = arith.constant 0 : i32
        %dma_wait3A_980 = arith.constant 0 : i32
        %dma_wait3A_981 = tpu.memref_slice %arg11[%dma_wait3A_979, %dma_wait3A_980] : memref<4x1664xf32, #tpu.memory_space<vmem>> -> memref<4x512xf32, #tpu.memory_space<vmem>>
        %dma_wait3A_982 = arith.constant 0 : i32
        %dma_wait3A_983 = arith.constant 319488 : i32
        %dma_wait3A_984 = tpu.memref_slice %arg4[%dma_wait3A_982, %dma_wait3A_983] : memref<4x320000xf32, #tpu.memory_space<hbm>> -> memref<4x512xf32, #tpu.memory_space<hbm>>
        %dma_wait3A_985 = arith.constant 0 : i32
        %dma_wait3A_986 = arith.constant 0 : i32
        %dma_wait3A_987 = tpu.memref_slice %arg11[%dma_wait3A_985, %dma_wait3A_986] : memref<4x1664xf32, #tpu.memory_space<vmem>> -> memref<4x512xf32, #tpu.memory_space<vmem>>
        %dma_wait3A_988 = arith.constant 0 : i32
        %dma_wait3A_989 = arith.constant 319488 : i32
        %dma_wait3A_990 = tpu.memref_slice %arg4[%dma_wait3A_988, %dma_wait3A_989] : memref<4x320000xf32, #tpu.memory_space<hbm>> -> memref<4x512xf32, #tpu.memory_space<hbm>>
        tpu.wait_dma2 semaphore(%run_scoped3A_966 : memref<!tpu.dma_semaphore, #tpu.memory_space<semaphore_mem>>) src(%dma_wait3A_990 : memref<4x512xf32, #tpu.memory_space<hbm>>) dst(%dma_wait3A_987 : memref<4x512xf32, #tpu.memory_space<vmem>>)
        tpu.yield
      }) : () -> ()
      %parallel_loop3A_963 = arith.constant 0 : i32
      %parallel_loop3A_964 = arith.constant 32 : i32
      %parallel_loop3A_965 = arith.constant 1 : i32
      scf.for %parallel_loop3A_966 = %parallel_loop3A_963 to %parallel_loop3A_964 step %parallel_loop3A_965  : i32 {
        %parallel_loop3A_967 = arith.constant 16 : i32
        %parallel_loop3A_968 = arith.muli %parallel_loop3A_966, %parallel_loop3A_967 : i32
        %parallel_loop3A_969 = tpu.assume_multiple %parallel_loop3A_968, 16 : i32
        %parallel_loop3A_970 = arith.constant 0 : i32
        %parallel_loop3A_971 = arith.index_cast %parallel_loop3A_970 : i32 to index
        %parallel_loop3A_972 = arith.index_cast %parallel_loop3A_969 : i32 to index
        %parallel_loop3A_973 = tpu.vector_load %arg9[%parallel_loop3A_971, %parallel_loop3A_972] {strides = array<i32>} : memref<2x1664xi32, #tpu.memory_space<vmem>>, vector<16xi32>,
        %parallel_loop3A_974 = arith.constant 1 : i32
        %parallel_loop3A_975 = arith.index_cast %parallel_loop3A_974 : i32 to index
        %parallel_loop3A_976 = arith.index_cast %parallel_loop3A_969 : i32 to index
        %parallel_loop3A_977 = tpu.vector_load %arg9[%parallel_loop3A_975, %parallel_loop3A_976] {strides = array<i32>} : memref<2x1664xi32, #tpu.memory_space<vmem>>, vector<16xi32>,
        %parallel_loop3A_978 = tpu.vector_load_idx %arg6[%parallel_loop3A_973] : memref<10240xf32, #tpu.memory_space<vmem>>[vector<16xi32>], vector<16xf32>,
        %parallel_loop3A_979 = tpu.vector_load_idx %arg6[%parallel_loop3A_977] : memref<10240xf32, #tpu.memory_space<vmem>>[vector<16xi32>], vector<16xf32>,
        %parallel_loop3A_980 = arith.subf %parallel_loop3A_979, %parallel_loop3A_978 : vector<16xf32>
        %parallel_loop3A_981 = arith.constant 0 : i32
        %parallel_loop3A_982 = arith.index_cast %parallel_loop3A_981 : i32 to index
        %parallel_loop3A_983 = arith.index_cast %parallel_loop3A_969 : i32 to index
        %parallel_loop3A_984 = tpu.vector_load %arg11[%parallel_loop3A_982, %parallel_loop3A_983] {strides = array<i32>} : memref<4x1664xf32, #tpu.memory_space<vmem>>, vector<16xf32>,
        %parallel_loop3A_985 = arith.constant 1 : i32
        %parallel_loop3A_986 = arith.index_cast %parallel_loop3A_985 : i32 to index
        %parallel_loop3A_987 = arith.index_cast %parallel_loop3A_969 : i32 to index
        %parallel_loop3A_988 = tpu.vector_load %arg11[%parallel_loop3A_986, %parallel_loop3A_987] {strides = array<i32>} : memref<4x1664xf32, #tpu.memory_space<vmem>>, vector<16xf32>,
        %parallel_loop3A_989 = arith.constant 7 : i32
        %parallel_loop3A_990 = vector.broadcast %parallel_loop3A_989 : i32 to vector<16xi32>
        %parallel_loop3A_991 = arith.shrui %parallel_loop3A_977, %parallel_loop3A_990 : vector<16xi32>
        %parallel_loop3A_992 = arith.constant 127 : i32
        %parallel_loop3A_993 = vector.broadcast %parallel_loop3A_992 : i32 to vector<16xi32>
        %parallel_loop3A_994 = arith.andi %parallel_loop3A_977, %parallel_loop3A_993 : vector<16xi32>
        %parallel_loop3A_995 = arith.divf %parallel_loop3A_980, %parallel_loop3A_984 : vector<16xf32>
        tpu.vector_store_idx %arg13[%parallel_loop3A_991, %parallel_loop3A_994], %parallel_loop3A_995 {add = true} : memref<80x128xf32, #tpu.memory_space<vmem>>[vector<16xi32>, vector<16xi32>], vector<16xf32>,
        %parallel_loop3A_996 = arith.divf %parallel_loop3A_980, %parallel_loop3A_988 : vector<16xf32>
        tpu.vector_store_idx %arg14[%parallel_loop3A_991, %parallel_loop3A_994], %parallel_loop3A_996 {add = true} : memref<80x128xf32, #tpu.memory_space<vmem>>[vector<16xi32>, vector<16xi32>], vector<16xf32>,
        tpu.vector_store_idx %arg15[%parallel_loop3A_991, %parallel_loop3A_994], %broadcast_in_dim3A_934 {add = true} : memref<80x128xf32, #tpu.memory_space<vmem>>[vector<16xi32>, vector<16xi32>], vector<16xf32>,
      } {sc.loop_unroll_factor = 8 : i64, sc.parallel_access}
    } else {
    }
    %run_scoped3A = arith.constant 0 : i32
    "tpu.region"() ({
      %run_scoped3A_963 = tpu.sem_alloc : memref<!tpu.dma_semaphore, #tpu.memory_space<semaphore_mem>>
      %dma_start3A_964 = arith.constant 0 : i32
      %dma_start3A_965 = tpu.memref_slice %arg16[%run_scoped3A, %dma_start3A_964] : memref<1x80xi32, #tpu.memory_space<vmem>> -> memref<1x80xi32, #tpu.memory_space<vmem>>
      %dma_start3A_966 = tpu.memref_squeeze %dma_start3A_965 : memref<1x80xi32, #tpu.memory_space<vmem>> -> memref<80xi32, #tpu.memory_space<vmem>>
      %dma_start3A_967 = arith.constant 0 : i32
      %dma_start3A_968 = arith.constant 0 : i32
      %dma_start3A_969 = tpu.memref_slice %arg17[%dma_start3A_967, %dma_start3A_968] : memref<80x128xf32, #tpu.memory_space<vmem_shared>> -> memref<80x128xf32, #tpu.memory_space<vmem_shared>>
      tpu.enqueue_indirect_dma source(%arg13 : memref<80x128xf32, #tpu.memory_space<vmem>>) target(%dma_start3A_969 : memref<80x128xf32, #tpu.memory_space<vmem_shared>>) offsets(%dma_start3A_966 : memref<80xi32, #tpu.memory_space<vmem>>) semaphore(%run_scoped3A_963 : memref<!tpu.dma_semaphore, #tpu.memory_space<semaphore_mem>>) {add = true}
      %dma_wait3A_970 = arith.constant 0 : i32
      %dma_wait3A_971 = tpu.memref_slice %arg16[%run_scoped3A, %dma_wait3A_970] : memref<1x80xi32, #tpu.memory_space<vmem>> -> memref<1x80xi32, #tpu.memory_space<vmem>>
      %dma_wait3A_972 = tpu.memref_squeeze %dma_wait3A_971 : memref<1x80xi32, #tpu.memory_space<vmem>> -> memref<80xi32, #tpu.memory_space<vmem>>
      %dma_wait3A_973 = arith.constant 0 : i32
      %dma_wait3A_974 = arith.constant 0 : i32
      %dma_wait3A_975 = tpu.memref_slice %arg17[%dma_wait3A_973, %dma_wait3A_974] : memref<80x128xf32, #tpu.memory_space<vmem_shared>> -> memref<80x128xf32, #tpu.memory_space<vmem_shared>>
      tpu.wait_indirect_dma semaphore(%run_scoped3A_963 : memref<!tpu.dma_semaphore, #tpu.memory_space<semaphore_mem>>) src(%arg13 : memref<80x128xf32, #tpu.memory_space<vmem>>) dst(%dma_wait3A_975 : memref<80x128xf32, #tpu.memory_space<vmem_shared>>)
      tpu.yield
    }) : () -> ()
    %run_scoped3A_955 = arith.constant 0 : i32
    "tpu.region"() ({
      %run_scoped3A_963 = tpu.sem_alloc : memref<!tpu.dma_semaphore, #tpu.memory_space<semaphore_mem>>
      %dma_start3A_964 = arith.constant 0 : i32
      %dma_start3A_965 = tpu.memref_slice %arg16[%run_scoped3A_955, %dma_start3A_964] : memref<1x80xi32, #tpu.memory_space<vmem>> -> memref<1x80xi32, #tpu.memory_space<vmem>>
      %dma_start3A_966 = tpu.memref_squeeze %dma_start3A_965 : memref<1x80xi32, #tpu.memory_space<vmem>> -> memref<80xi32, #tpu.memory_space<vmem>>
      %dma_start3A_967 = arith.constant 0 : i32
      %dma_start3A_968 = arith.constant 0 : i32
      %dma_start3A_969 = tpu.memref_slice %arg18[%dma_start3A_967, %dma_start3A_968] : memref<80x128xf32, #tpu.memory_space<vmem_shared>> -> memref<80x128xf32, #tpu.memory_space<vmem_shared>>
      tpu.enqueue_indirect_dma source(%arg14 : memref<80x128xf32, #tpu.memory_space<vmem>>) target(%dma_start3A_969 : memref<80x128xf32, #tpu.memory_space<vmem_shared>>) offsets(%dma_start3A_966 : memref<80xi32, #tpu.memory_space<vmem>>) semaphore(%run_scoped3A_963 : memref<!tpu.dma_semaphore, #tpu.memory_space<semaphore_mem>>) {add = true}
      %dma_wait3A_970 = arith.constant 0 : i32
      %dma_wait3A_971 = tpu.memref_slice %arg16[%run_scoped3A_955, %dma_wait3A_970] : memref<1x80xi32, #tpu.memory_space<vmem>> -> memref<1x80xi32, #tpu.memory_space<vmem>>
      %dma_wait3A_972 = tpu.memref_squeeze %dma_wait3A_971 : memref<1x80xi32, #tpu.memory_space<vmem>> -> memref<80xi32, #tpu.memory_space<vmem>>
      %dma_wait3A_973 = arith.constant 0 : i32
      %dma_wait3A_974 = arith.constant 0 : i32
      %dma_wait3A_975 = tpu.memref_slice %arg18[%dma_wait3A_973, %dma_wait3A_974] : memref<80x128xf32, #tpu.memory_space<vmem_shared>> -> memref<80x128xf32, #tpu.memory_space<vmem_shared>>
      tpu.wait_indirect_dma semaphore(%run_scoped3A_963 : memref<!tpu.dma_semaphore, #tpu.memory_space<semaphore_mem>>) src(%arg14 : memref<80x128xf32, #tpu.memory_space<vmem>>) dst(%dma_wait3A_975 : memref<80x128xf32, #tpu.memory_space<vmem_shared>>)
      tpu.yield
    }) : () -> ()
    %run_scoped3A_956 = arith.constant 0 : i32
    "tpu.region"() ({
      %run_scoped3A_963 = tpu.sem_alloc : memref<!tpu.dma_semaphore, #tpu.memory_space<semaphore_mem>>
      %dma_start3A_964 = arith.constant 0 : i32
      %dma_start3A_965 = tpu.memref_slice %arg16[%run_scoped3A_956, %dma_start3A_964] : memref<1x80xi32, #tpu.memory_space<vmem>> -> memref<1x80xi32, #tpu.memory_space<vmem>>
      %dma_start3A_966 = tpu.memref_squeeze %dma_start3A_965 : memref<1x80xi32, #tpu.memory_space<vmem>> -> memref<80xi32, #tpu.memory_space<vmem>>
      %dma_start3A_967 = arith.constant 0 : i32
      %dma_start3A_968 = arith.constant 0 : i32
      %dma_start3A_969 = tpu.memref_slice %arg19[%dma_start3A_967, %dma_start3A_968] : memref<80x128xf32, #tpu.memory_space<vmem_shared>> -> memref<80x128xf32, #tpu.memory_space<vmem_shared>>
      tpu.enqueue_indirect_dma source(%arg15 : memref<80x128xf32, #tpu.memory_space<vmem>>) target(%dma_start3A_969 : memref<80x128xf32, #tpu.memory_space<vmem_shared>>) offsets(%dma_start3A_966 : memref<80xi32, #tpu.memory_space<vmem>>) semaphore(%run_scoped3A_963 : memref<!tpu.dma_semaphore, #tpu.memory_space<semaphore_mem>>) {add = true}
      %dma_wait3A_970 = arith.constant 0 : i32
      %dma_wait3A_971 = tpu.memref_slice %arg16[%run_scoped3A_956, %dma_wait3A_970] : memref<1x80xi32, #tpu.memory_space<vmem>> -> memref<1x80xi32, #tpu.memory_space<vmem>>
      %dma_wait3A_972 = tpu.memref_squeeze %dma_wait3A_971 : memref<1x80xi32, #tpu.memory_space<vmem>> -> memref<80xi32, #tpu.memory_space<vmem>>
      %dma_wait3A_973 = arith.constant 0 : i32
      %dma_wait3A_974 = arith.constant 0 : i32
      %dma_wait3A_975 = tpu.memref_slice %arg19[%dma_wait3A_973, %dma_wait3A_974] : memref<80x128xf32, #tpu.memory_space<vmem_shared>> -> memref<80x128xf32, #tpu.memory_space<vmem_shared>>
      tpu.wait_indirect_dma semaphore(%run_scoped3A_963 : memref<!tpu.dma_semaphore, #tpu.memory_space<semaphore_mem>>) src(%arg15 : memref<80x128xf32, #tpu.memory_space<vmem>>) dst(%dma_wait3A_975 : memref<80x128xf32, #tpu.memory_space<vmem_shared>>)
      tpu.yield
    }) : () -> ()
    %barrier3A_957 = arith.constant 0 : index
    tpu.barrier barrier_id(%barrier3A_957)
    %eq3A_958 = arith.constant 0 : i32
    %eq3A_959 = arith.cmpi eq, %arg1, %eq3A_958 : i32
    %convert_element_type3A_960 = arith.extui %eq3A_959 : i1 to i32
    %cond3A_961 = arith.constant 0 : i32
    %cond3A_962 = arith.cmpi ne, %convert_element_type3A_960, %cond3A_961 : i32
    scf.if %cond3A_962 {
      %run_scoped3A_963 = arith.constant 0 : i32
      "tpu.region"() ({
        %run_scoped3A_966 = tpu.sem_alloc : memref<!tpu.dma_semaphore, #tpu.memory_space<semaphore_mem>>
        %dma_start3A_967 = arith.constant 0 : i32
        %dma_start3A_968 = arith.constant 0 : i32
        %dma_start3A_969 = tpu.memref_slice %arg5[%arg0, %run_scoped3A_963, %dma_start3A_967, %dma_start3A_968] : memref<2x3x80x128xf32, #tpu.memory_space<hbm>> -> memref<1x1x80x128xf32, #tpu.memory_space<hbm>>
        %dma_start3A_970 = tpu.memref_squeeze %dma_start3A_969 : memref<1x1x80x128xf32, #tpu.memory_space<hbm>> -> memref<80x128xf32, #tpu.memory_space<hbm>>
        tpu.enqueue_dma source(%arg17 : memref<80x128xf32, #tpu.memory_space<vmem_shared>>) target(%dma_start3A_970 : memref<80x128xf32, #tpu.memory_space<hbm>>) target_semaphore(%run_scoped3A_966 : memref<!tpu.dma_semaphore, #tpu.memory_space<semaphore_mem>>)
        %dma_wait3A_971 = arith.constant 0 : i32
        %dma_wait3A_972 = arith.constant 0 : i32
        %dma_wait3A_973 = tpu.memref_slice %arg5[%arg0, %run_scoped3A_963, %dma_wait3A_971, %dma_wait3A_972] : memref<2x3x80x128xf32, #tpu.memory_space<hbm>> -> memref<1x1x80x128xf32, #tpu.memory_space<hbm>>
        %dma_wait3A_974 = tpu.memref_squeeze %dma_wait3A_973 : memref<1x1x80x128xf32, #tpu.memory_space<hbm>> -> memref<80x128xf32, #tpu.memory_space<hbm>>
        tpu.wait_dma2 semaphore(%run_scoped3A_966 : memref<!tpu.dma_semaphore, #tpu.memory_space<semaphore_mem>>) src(%arg17 : memref<80x128xf32, #tpu.memory_space<vmem_shared>>) dst(%dma_wait3A_974 : memref<80x128xf32, #tpu.memory_space<hbm>>)
        tpu.yield
      }) : () -> ()
      %run_scoped3A_964 = arith.constant 1 : i32
      "tpu.region"() ({
        %run_scoped3A_966 = tpu.sem_alloc : memref<!tpu.dma_semaphore, #tpu.memory_space<semaphore_mem>>
        %dma_start3A_967 = arith.constant 0 : i32
        %dma_start3A_968 = arith.constant 0 : i32
        %dma_start3A_969 = tpu.memref_slice %arg5[%arg0, %run_scoped3A_964, %dma_start3A_967, %dma_start3A_968] : memref<2x3x80x128xf32, #tpu.memory_space<hbm>> -> memref<1x1x80x128xf32, #tpu.memory_space<hbm>>
        %dma_start3A_970 = tpu.memref_squeeze %dma_start3A_969 : memref<1x1x80x128xf32, #tpu.memory_space<hbm>> -> memref<80x128xf32, #tpu.memory_space<hbm>>
        tpu.enqueue_dma source(%arg18 : memref<80x128xf32, #tpu.memory_space<vmem_shared>>) target(%dma_start3A_970 : memref<80x128xf32, #tpu.memory_space<hbm>>) target_semaphore(%run_scoped3A_966 : memref<!tpu.dma_semaphore, #tpu.memory_space<semaphore_mem>>)
        %dma_wait3A_971 = arith.constant 0 : i32
        %dma_wait3A_972 = arith.constant 0 : i32
        %dma_wait3A_973 = tpu.memref_slice %arg5[%arg0, %run_scoped3A_964, %dma_wait3A_971, %dma_wait3A_972] : memref<2x3x80x128xf32, #tpu.memory_space<hbm>> -> memref<1x1x80x128xf32, #tpu.memory_space<hbm>>
        %dma_wait3A_974 = tpu.memref_squeeze %dma_wait3A_973 : memref<1x1x80x128xf32, #tpu.memory_space<hbm>> -> memref<80x128xf32, #tpu.memory_space<hbm>>
        tpu.wait_dma2 semaphore(%run_scoped3A_966 : memref<!tpu.dma_semaphore, #tpu.memory_space<semaphore_mem>>) src(%arg18 : memref<80x128xf32, #tpu.memory_space<vmem_shared>>) dst(%dma_wait3A_974 : memref<80x128xf32, #tpu.memory_space<hbm>>)
        tpu.yield
      }) : () -> ()
      %run_scoped3A_965 = arith.constant 2 : i32
      "tpu.region"() ({
        %run_scoped3A_966 = tpu.sem_alloc : memref<!tpu.dma_semaphore, #tpu.memory_space<semaphore_mem>>
        %dma_start3A_967 = arith.constant 0 : i32
        %dma_start3A_968 = arith.constant 0 : i32
        %dma_start3A_969 = tpu.memref_slice %arg5[%arg0, %run_scoped3A_965, %dma_start3A_967, %dma_start3A_968] : memref<2x3x80x128xf32, #tpu.memory_space<hbm>> -> memref<1x1x80x128xf32, #tpu.memory_space<hbm>>
        %dma_start3A_970 = tpu.memref_squeeze %dma_start3A_969 : memref<1x1x80x128xf32, #tpu.memory_space<hbm>> -> memref<80x128xf32, #tpu.memory_space<hbm>>
        tpu.enqueue_dma source(%arg19 : memref<80x128xf32, #tpu.memory_space<vmem_shared>>) target(%dma_start3A_970 : memref<80x128xf32, #tpu.memory_space<hbm>>) target_semaphore(%run_scoped3A_966 : memref<!tpu.dma_semaphore, #tpu.memory_space<semaphore_mem>>)
        %dma_wait3A_971 = arith.constant 0 : i32
        %dma_wait3A_972 = arith.constant 0 : i32
        %dma_wait3A_973 = tpu.memref_slice %arg5[%arg0, %run_scoped3A_965, %dma_wait3A_971, %dma_wait3A_972] : memref<2x3x80x128xf32, #tpu.memory_space<hbm>> -> memref<1x1x80x128xf32, #tpu.memory_space<hbm>>
        %dma_wait3A_974 = tpu.memref_squeeze %dma_wait3A_973 : memref<1x1x80x128xf32, #tpu.memory_space<hbm>> -> memref<80x128xf32, #tpu.memory_space<hbm>>
        tpu.wait_dma2 semaphore(%run_scoped3A_966 : memref<!tpu.dma_semaphore, #tpu.memory_space<semaphore_mem>>) src(%arg19 : memref<80x128xf32, #tpu.memory_space<vmem_shared>>) dst(%dma_wait3A_974 : memref<80x128xf32, #tpu.memory_space<hbm>>)
        tpu.yield
      }) : () -> ()
    } else {
    }
    return
  }
}

module attributes {stable_mosaic.version = 14 : i64} {
  func.func @ck(%arg0: memref<2x3x80x128xf32, #tpu.memory_space<vmem>>, %arg1: memref<2x10000xf32, #tpu.memory_space<vmem>>) attributes {dimension_semantics = [], scalar_prefetch = 0 : i64, scratch_operands = 0 : i64, tpu.core_type = #tpu.core_type<tc>} {
    %get3A = arith.constant 0 : index
    %get3A_0 = arith.constant 0 : index
    %get3A_1 = arith.constant 0 : index
    %get3A_2 = arith.constant 0 : index
    %get3A_3 = vector.load %arg0[%get3A, %get3A_0, %get3A_1, %get3A_2] : memref<2x3x80x128xf32, #tpu.memory_space<vmem>>, vector<2x3x80x128xf32>
    %slice3A = vector.extract_strided_slice %get3A_3 {offsets = [0, 0, 0, 0], sizes = [1, 3, 80, 128], strides = [1, 1, 1, 1]} : vector<2x3x80x128xf32> to vector<1x3x80x128xf32>
    %squeeze3A = vector.shape_cast %slice3A : vector<1x3x80x128xf32> to vector<3x80x128xf32>
    %slice3A_4 = vector.extract_strided_slice %get3A_3 {offsets = [1, 0, 0, 0], sizes = [1, 3, 80, 128], strides = [1, 1, 1, 1]} : vector<2x3x80x128xf32> to vector<1x3x80x128xf32>
    %squeeze3A_5 = vector.shape_cast %slice3A_4 : vector<1x3x80x128xf32> to vector<3x80x128xf32>
    %add3A = arith.addf %squeeze3A, %squeeze3A_5 : vector<3x80x128xf32>
    %slice3A_6 = vector.extract_strided_slice %add3A {offsets = [0, 0, 0], sizes = [2, 80, 128], strides = [1, 1, 1]} : vector<3x80x128xf32> to vector<2x80x128xf32>
    %reshape3A = vector.shape_cast %slice3A_6 : vector<2x80x128xf32> to vector<2x10240xf32>
    %slice3A_7 = vector.extract_strided_slice %add3A {offsets = [2, 0, 0], sizes = [1, 80, 128], strides = [1, 1, 1]} : vector<3x80x128xf32> to vector<1x80x128xf32>
    %squeeze3A_8 = vector.shape_cast %slice3A_7 : vector<1x80x128xf32> to vector<80x128xf32>
    %reshape3A_9 = vector.shape_cast %squeeze3A_8 : vector<80x128xf32> to vector<1x10240xf32>
    %max3A = arith.constant 1.000000e+00 : f32
    %max3A_10 = vector.broadcast %max3A : f32 to vector<1x10240xf32>
    %max3A_11 = arith.maximumf %reshape3A_9, %max3A_10 : vector<1x10240xf32>
    %div3A = vector.broadcast %max3A_11 : vector<1x10240xf32> to vector<2x10240xf32>
    %div3A_12 = arith.divf %reshape3A, %div3A : vector<2x10240xf32>
    %slice3A_13 = vector.extract_strided_slice %div3A_12 {offsets = [0, 0], sizes = [2, 10000], strides = [1, 1]} : vector<2x10240xf32> to vector<2x10000xf32>
    %swap3A = arith.constant 0 : index
    %swap3A_14 = arith.constant 0 : index
    %swap3A_15 = vector.load %arg1[%swap3A, %swap3A_14] : memref<2x10000xf32, #tpu.memory_space<vmem>>, vector<2x10000xf32>
    tpu.vector_store %arg1[%swap3A, %swap3A_14], %slice3A_13 {strides = array<i32>} : memref<2x10000xf32, #tpu.memory_space<vmem>>, vector<2x10000xf32>,
    return
  }
}

</mosaic_0001>

<sc_bundles>
// kernel: kernel.4.cloned.1.call-start
scs
__scs_entry_jumppad:
0x0: {  	(pc) =	sbr.rel $0x88, $3  }
0x1: {  	(tag) =	ssettag $0x0;
	lr =	simm.s32 $0x1  }
0x2: {  	[smem:$0x3F9E] =	sst lr;
	_ =	strace $0xD0000000  }
0x3: {  	_ = 	snop  }
0x4: {  	_ = 	snop  }
0x5: {  	_ = 	snop  }
0x6: {  	_ = 	snop  }
0x7: {  	_ = 	snop  }
__scs_overlays_trampoline_lowered:
0x8: {  	[smem:$0x3FAD] =	sst s0  }
0x9: {  	[smem:$0x3FAE] =	sst s1  }
0xa: {  	[smem:$0x3FAF] =	sst s2  }
0xb: {  	[smem:$0x3FB0] =	sst s3  }
0xc: {  	[smem:$0x3FB1] =	sst s4  }
0xd: {  	[smem:$0x3FB2] =	sst s5  }
0xe: {  	[smem:$0x3FB3] =	sst s6  }
0xf: {  	[smem:$0x3FB4] =	sst s7  }
0x10: {  	[smem:$0x3FB5] =	sst s8  }
0x11: {  	[smem:$0x3FB6] =	sst s9;
	s0 =	simm.s32 @!p0 $0x0  }
0x12: {  	s1 =	sld [smem:$0x3F9C];
	s0 =	simm.s32 @p0 $0x1  }
0x13: {  	[smem:$0x3FB7] =	sst s0;
	s0 =	simm.s32 @!p1 $0x0  }
0x14: {  	s2 =	sld [smem:$0x3F9B];
	s0 =	simm.s32 @p1 $0x1  }
0x15: {  	[smem:$0x3FB8] =	sst s0;
	s0 =	simm.s32 @!p2 $0x0  }
0x16: {  	s3 =	sld [smem:$0x3FDB];
	s0 =	simm.s32 @p2 $0x1  }
0x17: {  	s4 =	simm.s32 $0x1BF5;
	[smem:$0x3FBA] =	sst s0  }
0x18: {  	s0 =	sld [smem:$0x3F9D];
	_ =	swait.ge [sflag:s4], $0x0  }
0x19: {  	s7 =	sld [smem:$0x3F9E]  }
0x1a: {  	s8 =	sadd.s32 $0xFFFFE003, lr  }
0x1b: {  	s9 =	sadd.s32 $0xFFFFFEF7, lr;
	s5 =	simm.s32 $0xFFFFFFFF;
	p2 =	slt.u32 s8, $0xFFFFF086  }
0x1c: {  	p1 =	slt.u32 s9, $0xF7A;
	s5 =	simm.s32 @!p2 $0x0  }
0x1d: {  	s5 =	simm.s32 @p1 $0x1;
	p0 =	seq.s32 s7, s2  }
0x1e: {  	s7 =	smul.u32 @!p0 $0xF7A, s2;
	p2 =	seq.s32 @!p0 s5, $0x0  }
0x1f: {  	s9 =	smul.u32 $0xF7A, s1;
	s8 =	simm.s32 @!p0 $0x1BF5;
	p2 =	por !p2, p0  }
0x20: {  	[sflag:s8] =	ssyncset.s32 @!p0 $0xFFFFF086;
	s6 =	sadd.s32 @!p0 s3, s7;
	s7 =	simm.s32 @!p0 $0x108  }
0x21: {  	s3 =	sadd.s32 s3, s9;
	s6 =	sadd.s32 @!p0 $0x88, s6;
	s7 =	simm.s32 @p2 $0x1082  }
0x22: {  	[simem:s7], [sflag:s8] =	dma.local @!p0 [hbm:s6], $0xF7A  }
0x23: {  	s9 =	sor.u32 $0xD0000000, s2;
	s6 =	simm.s32 $0x108;
	_ =	swait.ge @!p0 [sflag:s8], $0x0  }
0x24: {  	s3 =	sadd.s32 $0x88, s3;
	s6 =	simm.s32 @!p1 $0x1082;
	[sflag:s4] =	ssyncset.s32 $0xFFFFF086  }
0x25: {  	[simem:s6], [sflag:s4] =	dma.local [hbm:s3], $0xF7A  }
0x26: {  	[smem:$0x3F9E] =	sst s1;
	(tag) =	ssettag s2;
	_ =	strace s9  }
0x27: {  	s1 =	sld [smem:$0x3FAE]  }
0x28: {  	s2 =	sld [smem:$0x3FAF]  }
0x29: {  	s4 =	sld [smem:$0x3FB1]  }
0x2a: {  	p0 =	seq.s32 s5, $0x0;
	s5 =	sld [smem:$0x3FB2]  }
0x2b: {  	s6 =	sld [smem:$0x3FB3]  }
0x2c: {  	s7 =	sld [smem:$0x3FB4]  }
0x2d: {  	s3 =	simm.s32 $0x108;
	s8 =	sld [smem:$0x3FB5]  }
0x2e: {  	s3 =	simm.s32 @!p0 $0x1082;
	s9 =	sld [smem:$0x3FB6]  }
0x2f: {  	lr =	sadd.s32 s0, s3;
	s0 =	sld [smem:$0x3FAD]  }
0x30: {  	s3 =	sld [smem:$0x3FB0]  }
0x31: {  	[smem:$0x3FB9] =	sst s10  }
0x32: {  	s10 =	sld [smem:$0x3FB7];
	_ =	sdelay $0x3  }
0x33: {  	p0 =	seq.s32 s10, $0x1;
	s10 =	sld [smem:$0x3FB9];
	_ =	sdelay $0x3  }
0x34: {  	[smem:$0x3FB9] =	sst s10  }
0x35: {  	s10 =	sld [smem:$0x3FB8];
	_ =	sdelay $0x3  }
0x36: {  	p1 =	seq.s32 s10, $0x1;
	s10 =	sld [smem:$0x3FB9];
	_ =	sdelay $0x3  }
0x37: {  	[smem:$0x3FB9] =	sst s10  }
0x38: {  	s10 =	sld [smem:$0x3FBA]  }
0x39: {  	_ = 	snop;
	(pc) =	sbr.ind lr, $3  }
0x3a: {  	_ = 	snop  }
0x3b: {  	_ = 	snop  }
0x3c: {  	p2 =	seq.s32 s10, $0x1;
	s10 =	sld [smem:$0x3FB9]  }
0x3d: {  	_ =	shalt  }
0x3e: {  	_ =	shalt  }
0x3f: {  	_ =	shalt  }
0x40: {  	_ =	shalt  }
0x41: {  	_ =	shalt  }
0x42: {  	_ =	shalt  }
0x43: {  	_ =	shalt  }
0x44: {  	_ =	shalt  }
0x45: {  	_ =	shalt  }
0x46: {  	_ =	shalt  }
0x47: {  	_ =	shalt  }
0x48: {  	_ =	shalt  }
0x49: {  	_ =	shalt  }
0x4a: {  	_ =	shalt  }
0x4b: {  	_ =	shalt  }
0x4c: {  	_ =	shalt  }
0x4d: {  	_ =	shalt  }
0x4e: {  	_ =	shalt  }
0x4f: {  	_ =	shalt  }
0x50: {  	_ =	shalt  }
0x51: {  	_ =	shalt  }
0x52: {  	_ =	shalt  }
0x53: {  	_ =	shalt  }
0x54: {  	_ =	shalt  }
0x55: {  	_ =	shalt  }
0x56: {  	_ =	shalt  }
0x57: {  	_ =	shalt  }
0x58: {  	_ =	shalt  }
0x59: {  	_ =	shalt  }
0x5a: {  	_ =	shalt  }
0x5b: {  	_ =	shalt  }
0x5c: {  	_ =	shalt  }
0x5d: {  	_ =	shalt  }
0x5e: {  	_ =	shalt  }
0x5f: {  	_ =	shalt  }
0x60: {  	_ =	shalt  }
0x61: {  	_ =	shalt  }
0x62: {  	_ =	shalt  }
0x63: {  	_ =	shalt  }
0x64: {  	_ =	shalt  }
0x65: {  	_ =	shalt  }
0x66: {  	_ =	shalt  }
0x67: {  	_ =	shalt  }
0x68: {  	_ =	shalt  }
0x69: {  	_ =	shalt  }
0x6a: {  	_ =	shalt  }
0x6b: {  	_ =	shalt  }
0x6c: {  	_ =	shalt  }
0x6d: {  	_ =	shalt  }
0x6e: {  	_ =	shalt  }
0x6f: {  	_ =	shalt  }
0x70: {  	_ =	shalt  }
0x71: {  	_ =	shalt  }
0x72: {  	_ =	shalt  }
0x73: {  	_ =	shalt  }
0x74: {  	_ =	shalt  }
0x75: {  	_ =	shalt  }
0x76: {  	_ =	shalt  }
0x77: {  	_ =	shalt  }
0x78: {  	_ =	shalt  }
0x79: {  	_ =	shalt  }
0x7a: {  	_ =	shalt  }
0x7b: {  	_ =	shalt  }
0x7c: {  	_ =	shalt  }
0x7d: {  	_ =	shalt  }
0x7e: {  	_ =	shalt  }
0x7f: {  	_ =	shalt  }
0x80: {  	_ =	shalt  }
0x81: {  	_ =	shalt  }
0x82: {  	_ =	shalt  }
0x83: {  	_ =	shalt  }
0x84: {  	_ =	shalt  }
0x85: {  	_ =	shalt  }
0x86: {  	_ =	shalt  }
0x87: {  	_ =	shalt  }
.Lfunc_end0:
.L_simem_size_0:
called_computation_lowered:
.L_overlay_start_0:
0x88: {  	s2 =	sld [smem:$0x3FD9]  }
0x89: {  	s3 =	sld [smem:$0x3FFE];
	_ =	sdelay $0x1  }
0x8a: {  	s1 =	srdreg.scid  }
0x8b: {  	s0 =	sand.u32 $0x1, s1  }
0x8c: {  	s17 =	sshll.u32 s0, $0xA;
	s2 =	sadd.s32 s3, s2  }
0x8d: {  	s2 =	sadd.s32 s2, s17  }
0x8e: {  	[smem:$0x3FC5] =	sst s2  }
0x8f: {  	_ = 	snop  }
0x90: {  	s2 =	sld [smem:$0x3FC9]  }
0x91: {  	s18 =	sld [smem:$0x3FC8]  }
0x92: {  	s4 =	sld [smem:$0x3FC7];
	(tm) =	ssettm $0x1  }
0x93: {  	s5 =	sld [smem:$0x3FFB];
	_ =	sdelay $0x3  }
0x94: {  	_ =	strace s5  }
0x95: {  	s5 =	sld [smem:$0x3FFC];
	_ =	sdelay $0x3  }
0x96: {  	_ =	strace s5  }
0x97: {  	s5 =	sld [smem:$0x3FFD];
	_ =	sdelay $0x3  }
0x98: {  	_ =	strace s5  }
0x99: {  	_ =	strace $0x8FFFFFFF  }
0x9a: {  	s19 =	sld [smem:$0x3FDB];
	_ =	sdelay $0x1  }
0x9b: {  	s6 =	simm.s32 $_scs_section_size  }
0x9c: {  	s7 =	simm.s32 $_size__tile_overlayer_lowered;
	s8 =	simm.s32 $_tile_overlayer_lowered  }
0x9d: {  	s22 =	simm.s32 $0x1BFF;
	s21 =	sshll.u32 s8, $0x1;
	s5 =	sadd.s32 s6, s19  }
0x9e: {  	s9 =	simm.s32 $0x0;
	s20 =	sshll.u32 s7, $0x1;
	s7 =	sadd.s32 s21, s5  }
0x9f: {  	[timem:s9], [sflag:s22] =	dma.local [hbm:s7], s20  }
0xa0: {  	_ =	swait.ge [sflag:s22], s20  }
0xa1: {  	s6 =	ssub.s32 $0x0, s20;
	[sflag:s22] =	ssyncset.done $0x0  }
0xa2: {  	[sflag:s22] =	ssyncadd.s32 s6;
	_ =	sdelay $0x1  }
0xa3: {  	s23 =	simm.s32 $0x1B8B  }
0xa4: {  	_ =	swait.ge [sflag:s23], $0x1  }
0xa5: {  	[sflag:s23] =	ssyncset.done $0x0  }
0xa6: {  	s25 =	simm.s32 $0x1B8E;
	s24 =	sld [smem:$0x3FFE];
	[sflag:s23] =	ssyncadd.s32 $0xFFFFFFFF  }
0xa7: {  	s26 =	simm.s32 $execute0_lowered;
	[smem:$0x3FD2] =	sst s25  }
0xa8: {  	s7 =	sshll.u32 s26, $0x1;
	_ =	strace $0x80000046;
	[dreg:$0x1] =	wrdreg $0xFFFFFFFF  }
0xa9: {  	s28 =	simm.s32 $_size_execute0_lowered;
	s5 =	sadd.s32 s5, s7;
	[dreg:$0x0] =	wrdreg $0x0  }
0xaa: {  	s7 =	sshll.u32 s28, $0x1;
	[dreg:$0x2] =	wrdreg s5  }
0xab: {  	[dreg:$0x3] =	wrdreg s7  }
0xac: {  	[dreg:$0x4] =	wrdreg $0xC0  }
0xad: {  	_ =	task [dreg:s9], $0x5FFFF  }
0xae: {  	[dreg:$0x1] =	wrdreg $0xFFFFFFFF  }
0xaf: {  	[dreg:$0x0] =	wrdreg $0x60  }
0xb0: {  	[dreg:$0x2] =	wrdreg s2  }
0xb1: {  	[dreg:$0x3] =	wrdreg s18  }
0xb2: {  	[dreg:$0x4] =	wrdreg s4  }
0xb3: {  	[dreg:$0x5] =	wrdreg s24  }
0xb4: {  	[dreg:$0x6] =	wrdreg $0xF5000  }
0xb5: {  	[dreg:$0x7] =	wrdreg $0xF7800  }
0xb6: {  	[dreg:$0x8] =	wrdreg $0xFA000  }
0xb7: {  	[dreg:$0x9] =	wrdreg $0x2C000  }
0xb8: {  	[dreg:$0xa] =	wrdreg $0x9  }
0xb9: {  	_ =	task.clear_ibuf [dreg:s9], $0xBFFFF;
	_ =	strace $0x90000046  }
0xba: {  	s29 =	simm.s32 $0x9;
	_ =	strace $0x80000048  }
0xbb: {  	_ =	swait.ge [sflag:s29], $0x1  }
0xbc: {  	[sflag:s29] =	ssyncadd.s32 $0xFFFFFFFF  }
0xbd: {  	_ =	strace $0x90000048  }
0xbe: {  	_ =	sfence  }
0xbf: {  	s30 =	sld [smem:$0x0];
	_ =	sdelay $0x2  }
0xc0: {  	s31 =	sshll.u32 s1, $0xD;
	s1 =	sshrl.u32 s1, $0x2  }
0xc1: {  	s3 =	sand.u32 $0x4000, s31;
	s1 =	sadd.s32 s1, s30  }
0xc2: {  	s0 =	sor.u32 s3, s0;
	s1 =	sshll.u32 s1, $0x11  }
0xc3: {  	s0 =	sor.u32 s1, s0  }
0xc4: {  	s0 =	sadd.s32 $0x8F2B, s0  }
0xc5: {  	[sflag:s0] =	ssyncadd.remote.s32 $0x1  }
0xc6: {  	_ =	sfence.sel $0xFFFF  }
0xc7: {  	[dreg:$0x0] =	wrdreg $0xFFFFFFFF;
	(pc) =	sbr.abs _section_cstart, $3  }
0xc8: {  	[dreg:$0x1] =	wrdreg $0xFFFFFFFF  }
0xc9: {  	_ =	task.clear_ibuf [dreg:s9], $0x2FFFF;
	_ =	strace $0x9FFFFFFF  }
0xca: {  	(tm) =	ssettm $0x7FFFFFFF  }
0xcb: {  	_ =	shalt  }
tec
execute0_lowered:
.L_overlay_start_1:
0x0: {  	(tag) =	ssettag $0x1  }
0x1: {  	s2 =	stileid.u32  }
0x2: {  	v0 =	vlaneseq.u32;
	s0 =	smul.u32 $0x280, s2  }
0x3: {  	v45 =	vimm.f32 $0.0e+00;
	v46 =	vimm.f32 $1.000000000e+00;
	v42 =	vor.u32 $0x20, v0  }
0x4: {  	v43 =	vor.u32 $0x30, v0;
	v44 =	vor.u32 $0x40, v0;
	s1 =	sor.u32 $0x10, s0;
	s3 =	sor.u32 $0x20, s0;
	v1 =	vor.u32 s0, v0  }
0x5: {  	s13 =	sor.u32 $0x30, s0;
	s14 =	sor.u32 $0x40, s0;
	s4 =	sor.u32 $0x50, s0;
	v2 =	vor.u32 s1, v0;
	v3 =	vor.u32 s3, v0;
	v1 =	vmin.u32 v1, $0x270F  }
0x6: {  	s15 =	sor.u32 $0x60, s0;
	s5 =	sor.u32 $0x70, s0;
	s6 =	sadd.s32 $0x80, s0;
	v4 =	vor.u32 s13, v0;
	v5 =	vor.u32 s14, v0;
	v6 =	vor.u32 s4, v0  }
0x7: {  	s16 =	sadd.s32 $0x90, s0;
	s17 =	sadd.s32 $0xA0, s0;
	s7 =	sadd.s32 $0xB0, s0;
	v7 =	vor.u32 s15, v0;
	v8 =	vor.u32 s5, v0;
	v9 =	vor.u32 s6, v0  }
0x8: {  	s18 =	sadd.s32 $0xC0, s0;
	s9 =	sadd.s32 $0xD0, s0;
	s10 =	sadd.s32 $0xE0, s0;
	v10 =	vor.u32 s16, v0;
	v11 =	vor.u32 s17, v0;
	v12 =	vor.u32 s7, v0  }
0x9: {  	s19 =	sadd.s32 $0xF0, s0;
	s11 =	sadd.s32 $0x100, s0;
	s21 =	sadd.s32 $0x110, s0;
	v13 =	vor.u32 s18, v0;
	v14 =	vor.u32 s9, v0;
	v15 =	vor.u32 s10, v0  }
0xa: {  	s23 =	sadd.s32 $0x120, s0;
	s12 =	sadd.s32 $0x130, s0;
	s26 =	sadd.s32 $0x150, s0;
	v16 =	vor.u32 s19, v0;
	v17 =	vor.u32 s11, v0;
	v18 =	vor.u32 s21, v0  }
0xb: {  	s8 =	rddreg [dreg:$0x3];
	v19 =	vor.u32 s23, v0;
	v20 =	vor.u32 s12, v0;
	v22 =	vor.u32 s26, v0  }
0xc: {  	s20 =	rddreg [dreg:$0x7];
	v2 =	vmin.u32 v2, $0x270F;
	v3 =	vmin.u32 v3, $0x270F;
	v1 =	vshll.u32 v1, $0x7  }
0xd: {  	s1 =	rddreg [dreg:$0x0];
	v4 =	vmin.u32 v4, $0x270F;
	v5 =	vmin.u32 v5, $0x270F;
	v6 =	vmin.u32 v6, $0x270F  }
0xe: {  	s3 =	rddreg [dreg:$0x1];
	v7 =	vmin.u32 v7, $0x270F;
	v8 =	vmin.u32 v8, $0x270F;
	v9 =	vmin.u32 v9, $0x270F  }
0xf: {  	[dreg:$0x9] =	wrdreg s6;
	v10 =	vmin.u32 v10, $0x270F;
	v11 =	vmin.u32 v11, $0x270F;
	v12 =	vmin.u32 v12, $0x270F  }
0x10: {  	s4 =	rddreg [dreg:$0x2];
	v13 =	vmin.u32 v13, $0x270F;
	v14 =	vmin.u32 v14, $0x270F;
	v15 =	vmin.u32 v15, $0x270F  }
0x11: {  	s22 =	srdreg.scid;
	s5 =	rddreg [dreg:$0x4];
	s13 =	sadd.s32 $0x140, s0;
	v16 =	vmin.u32 v16, $0x270F;
	v17 =	vmin.u32 v17, $0x270F;
	v18 =	vmin.u32 v18, $0x270F  }
0x12: {  	s9 =	sand.u32 $0x1, s22;
	s14 =	sadd.s32 $0x160, s0;
	s15 =	sadd.s32 $0x170, s0;
	v21 =	vor.u32 s13, v0;
	v19 =	vmin.u32 v19, $0x270F;
	v20 =	vmin.u32 v20, $0x270F  }
0x13: {  	s12 =	sadd.s32 $0x180, s0;
	s22 =	sadd.s32 $0x1C0, s0;
	s23 =	sadd.s32 $0x1D0, s0;
	v23 =	vor.u32 s14, v0;
	v24 =	vor.u32 s15, v0;
	v22 =	vmin.u32 v22, $0x270F  }
0x14: {  	s21 =	sadd.s32 $0x200, s0;
	s18 =	sadd.s32 $0x210, s0;
	s19 =	sadd.s32 $0x220, s0;
	v25 =	vor.u32 s12, v0;
	v29 =	vor.u32 s22, v0;
	v30 =	vor.u32 s23, v0  }
0x15: {  	s6 =	rddreg [dreg:$0x5];
	v33 =	vor.u32 s18, v0;
	v35 =	vor.u32 s19, v0;
	v34 =	vor.u32 s21, v0  }
0x16: {  	s30 =	simm.s32 $0x80;
	s31 =	simm.s32 $0x4;
	s7 =	rddreg [dreg:$0x6];
	[tilespmem:$0x1FF60] =	vst v1;
	v1 =	vshll.u32 v2, $0x7;
	v11 =	vshll.u32 v11, $0x7;
	v12 =	vshll.u32 v12, $0x7  }
0x17: {  	s28 =	simm.s32 $0x7C80;
	[dreg:$0xa] =	wrdreg s11;
	s11 =	simm.s32 $0x0;
	v13 =	vshll.u32 v13, $0x7;
	v14 =	vshll.u32 v14, $0x7;
	v15 =	vshll.u32 v15, $0x7  }
0x18: {  	s29 =	simm.s32 $0xA480;
	p0 =	sne.s32 s2, $0x0;
	[smem:$0x7FF] =	sst s11;
	v16 =	vshll.u32 v16, $0x7;
	v17 =	vshll.u32 v17, $0x7;
	[tilespmem:$0x1FF70] =	vst v1;
	v1 =	vshll.u32 v3, $0x7  }
0x19: {  	s24 =	smul.u32 $0x7800, s9;
	s25 =	ssub.s32 $0x2, s9;
	s17 =	sshll.u32 s9, $0x4;
	v18 =	vshll.u32 v18, $0x7;
	v21 =	vmin.u32 v21, $0x270F;
	[tilespmem:$0x1FF80] =	vst v1;
	v1 =	vshll.u32 v4, $0x7  }
0x1a: {  	s13 =	sadd.s32 $0x190, s0;
	s15 =	sadd.s32 $0x230, s0;
	s23 =	sadd.s32 $0x240, s0;
	v19 =	vshll.u32 v19, $0x7;
	v20 =	vshll.u32 v20, $0x7;
	[tilespmem:$0x1FF90] =	vst v1;
	v1 =	vshll.u32 v5, $0x7  }
0x1b: {  	s22 =	sadd.s32 $0x260, s0;
	s19 =	sadd.s32 s0, s20;
	s16 =	sshrl.u32 s25, $0x1;
	v23 =	vmin.u32 v23, $0x270F;
	v24 =	vmin.u32 v24, $0x270F;
	[tilespmem:$0x1FFA0] =	vst v1;
	v1 =	vshll.u32 v6, $0x7  }
0x1c: {  	v37 =	vor.u32 s23, v0;
	s23 =	smov.u32 s21;
	v39 =	vor.u32 s22, v0;
	s22 =	sadd.s32 $0x13800, s3;
	s10 =	sshrl.u32 s24, $0x3;
	[tilespmem:$0x1FFB0] =	vst v1;
	v1 =	vshll.u32 v7, $0x7  }
0x1d: {  	v22 =	vshll.u32 v22, $0x7;
	v26 =	vor.u32 s13, v0;
	s21 =	simm.s32 $0x6280;
	s8 =	sadd.s32 s10, s8;
	s10 =	sor.u32 s2, s17;
	[tilespmem:$0x1FFC0] =	vst v1;
	v1 =	vshll.u32 v8, $0x7  }
0x1e: {  	v25 =	vmin.u32 v25, $0x270F;
	v36 =	vor.u32 s15, v0;
	s9 =	ssub.s32 s25, s16;
	s16 =	sadd.s32 $0x1A0, s0;
	s14 =	smul.u32 $0x2700, s10;
	[tilespmem:$0x1FFD0] =	vst v1;
	v1 =	vshll.u32 v9, $0x7  }
0x1f: {  	v29 =	vmin.u32 v29, $0x270F;
	v30 =	vmin.u32 v30, $0x270F;
	s24 =	sadd.s32 $0x1E0, s0;
	s25 =	sadd.s32 $0x1F0, s0;
	s26 =	smul.u32 $0x9C0, s10;
	[tilespmem:$0x1FFE0] =	vst v1;
	v1 =	vshll.u32 v10, $0x7  }
0x20: {  	v34 =	vmin.u32 v34, $0x270F;
	v40 =	vmin.u32 v33, $0x270F;
	s17 =	sadd.s32 $0x1B0, s0;
	v31 =	vor.u32 s24, v0;
	s2 =	simm.s32 $0xCC80;
	s24 =	smul.u32 $0x1380, s10;
	[tilespmem:$0x1FFF0] =	vst v1  }
0x21: {  	v35 =	vmin.u32 v35, $0x270F;
	v21 =	vshll.u32 v21, $0x7;
	v23 =	vshll.u32 v23, $0x7;
	s15 =	sadd.s32 s3, s26;
	_ =	strace $0x80000047;
	[dreg:$0xb] =	wrdreg s12  }
0x22: {  	v24 =	vshll.u32 v24, $0x7;
	v26 =	vmin.u32 v26, $0x270F;
	v32 =	vor.u32 s25, v0;
	s25 =	sadd.s32 $0x680, s14;
	s26 =	sadd.s32 s4, s24;
	[dreg:$0xc] =	wrdreg s15  }
0x23: {  	v25 =	vshll.u32 v25, $0x7;
	v29 =	vshll.u32 v29, $0x7;
	v28 =	vor.u32 s17, v0;
	s17 =	sadd.s32 $0x250, s0;
	s18 =	sshrl.u32 s25, $0x2;
	[dreg:$0xd] =	wrdreg s26  }
0x24: {  	v30 =	vshll.u32 v30, $0x7;
	v33 =	vshll.u32 v34, $0x7;
	v34 =	vshll.u32 v40, $0x7;
	p1 =	sne.s32 s10, $0x1F;
	s13 =	sadd.s32 s3, s18;
	[dreg:$0xe] =	wrdreg s19  }
0x25: {  	v36 =	vmin.u32 v36, $0x270F;
	v37 =	vmin.u32 v37, $0x270F;
	v35 =	vshll.u32 v35, $0x7;
	s10 =	simm.s32 $0x1;
	s24 =	sadd.s32 $0x600, s8;
	[dreg:$0xf] =	wrdreg s13  }
0x26: {  	v39 =	vmin.u32 v39, $0x270F;
	v27 =	vor.u32 s16, v0;
	v26 =	vshll.u32 v26, $0x7;
	s12 =	sadd.s32 $0x270, s0;
	s15 =	sshrl.u32 s25, $0x1;
	[dreg:$0x11] =	wrdreg s22  }
0x27: {  	v36 =	vshll.u32 v36, $0x7;
	v37 =	vshll.u32 v37, $0x7;
	v39 =	vshll.u32 v39, $0x7;
	s19 =	sadd.s32 $0xD00, s14;
	[dreg:$0x12] =	wrdreg s24;
	s25 =	sadd.s32 $0xB00, s8  }
.Ltmp0:
0x28: {  	v27 =	vmin.u32 v27, $0x270F;
	v31 =	vmin.u32 v31, $0x270F;
	v32 =	vmin.u32 v32, $0x270F;
	s24 =	sadd.s32 $0x1000, s8;
	s26 =	sadd.s32 $0x27000, s4;
	(pc) =	sbr.rel .LBB2_1-.Ltmp0, $4  }
0x29: {  	v27 =	vshll.u32 v27, $0x7;
	v28 =	vmin.u32 v28, $0x270F;
	v38 =	vor.u32 s17, v0;
	s8 =	simm.s32 $0x3;
	s20 =	sadd.s32 s4, s15;
	[dreg:$0x13] =	wrdreg s25  }
0x2a: {  	v31 =	vshll.u32 v31, $0x7;
	v32 =	vshll.u32 v32, $0x7;
	v41 =	vor.u32 s12, v0;
	s25 =	smax.u32 s9, $0x1;
	[dreg:$0x14] =	wrdreg s26;
	s9 =	simm.s32 $0x3B80  }
0x2b: {  	v28 =	vshll.u32 v28, $0x7;
	v38 =	vmin.u32 v38, $0x270F;
	s26 =	simm.s32 $0x2;
	s12 =	simm.s32 $0xF480;
	s15 =	simm.s32 $0x0;
	v63 =	vmin.u32 v41, $0x270F  }
0x2c: {  	v38 =	vshll.u32 v38, $0x7;
	[dreg:$0x10] =	wrdreg s20;
	s20 =	sadd.s32 $0x1380, s14;
	v41 =	vor.u32 $0x10, v0;
	s14 =	simm.s32 $0x50;
	v40 =	vshll.u32 v63, $0x7  }
.LBB2_14:
0x2d: {  	[spmem:s5] =	stream.indirect.scatter.add.f32 [tilespmem:s28], [sflag:$0x4], $0x80, s12, s14, $0xb8;
	[tilespmem:$0xFC80] =	vst v63  }
0x2e: {  	_ =	swait.ge [sflag:s31], $0x2800  }
0x2f: {  	[sflag:s31] =	ssyncset.done $0x0  }
0x30: {  	[sflag:s31] =	ssyncadd.s32 $0xFFFFD800  }
0x31: {  	[spmem:s6] =	stream.indirect.scatter.add.f32 [tilespmem:s29], [sflag:$0x4], $0x80, s12, s14, $0xb8;
	[tilespmem:$0xFC80] =	vst v63  }
0x32: {  	_ =	swait.ge [sflag:s31], $0x2800  }
0x33: {  	[sflag:s31] =	ssyncset.done $0x0  }
0x34: {  	[sflag:s31] =	ssyncadd.s32 $0xFFFFD800  }
0x35: {  	[spmem:s7] =	stream.indirect.scatter.add.f32 [tilespmem:s2], [sflag:$0x4], $0x80, s12, s14, $0xb8;
	[tilespmem:$0xFC80] =	vst v63  }
0x36: {  	_ =	swait.ge [sflag:s31], $0x2800  }
0x37: {  	[sflag:s31] =	ssyncset.done $0x0  }
0x38: {  	[sflag:s31] =	ssyncadd.s32 $0xFFFFD800  }
0x39: {  	[bflag:$0x0] =	sbarrier.arrive $0xFFFF  }
0x3a: {  	s13 =	sshrl.u32 @!p0 s5, $0x3;
	s16 =	simm.s32 @!p0 $0x1C04;
	s17 =	rddreg [dreg:$0x12]  }
0x3b: {  	[hbm:s17], [sflag:s16] =	dma.local @!p0 [spmem:s13], $0x500  }
0x3c: {  	s13 =	simm.s32 @!p0 $0x4  }
0x3d: {  	_ =	swait.ge @!p0 [sflag:s13], $0x500  }
0x3e: {  	[sflag:s13] =	ssyncset.done @!p0 $0x0  }
0x3f: {  	s17 =	sshrl.u32 @!p0 s6, $0x3;
	s18 =	rddreg [dreg:$0x13];
	[sflag:s13] =	ssyncadd.s32 @!p0 $0xFFFFFB00  }
0x40: {  	[hbm:s18], [sflag:s16] =	dma.local @!p0 [spmem:s17], $0x500  }
0x41: {  	s15 =	sadd.s32 $0x1, s15;
	_ =	swait.ge @!p0 [sflag:s13], $0x500  }
0x42: {  	p2 =	sne.s32 s15, s25;
	[sflag:s13] =	ssyncset.done @!p0 $0x0  }
.Ltmp1:
0x43: {  	s17 =	sshrl.u32 @!p0 s7, $0x3;
	[sflag:s13] =	ssyncadd.s32 @!p0 $0xFFFFFB00;
	(pc) =	sbr.rel @!p2 .LBB2_15-.Ltmp1, $4  }
0x44: {  	[hbm:s24], [sflag:s16] =	dma.local @!p0 [spmem:s17], $0x500  }
0x45: {  	_ =	swait.ge @!p0 [sflag:s13], $0x500  }
0x46: {  	[sflag:s13] =	ssyncset.done @!p0 $0x0  }
0x47: {  	[sflag:s13] =	ssyncadd.s32 @!p0 $0xFFFFFB00  }
.LBB2_1:
0x48: {  	v1 =	vld [tilespmem:$0x1FF60];
	_ =	sdelay $0x4  }
0x49: {  	[tilespmem:$0x2800] =	vst v1;
	v1 =	vld [tilespmem:$0x1FF70];
	_ =	sdelay $0x4  }
0x4a: {  	[tilespmem:$0x2810] =	vst v1;
	v1 =	vld [tilespmem:$0x1FF80];
	_ =	sdelay $0x2  }
0x4b: {  	[tilespmem:$0x28A0] =	vst v11  }
0x4c: {  	[tilespmem:$0x28B0] =	vst v12  }
0x4d: {  	[tilespmem:$0x2820] =	vst v1;
	v1 =	vld [tilespmem:$0x1FF90]  }
0x4e: {  	[tilespmem:$0x28C0] =	vst v13  }
0x4f: {  	[tilespmem:$0x28D0] =	vst v14  }
0x50: {  	[tilespmem:$0x28E0] =	vst v15  }
0x51: {  	[tilespmem:$0x28F0] =	vst v16  }
0x52: {  	[tilespmem:$0x2830] =	vst v1;
	v1 =	vld [tilespmem:$0x1FFA0]  }
0x53: {  	[tilespmem:$0x2900] =	vst v17  }
0x54: {  	[tilespmem:$0x2910] =	vst v18  }
0x55: {  	[tilespmem:$0x2920] =	vst v19  }
0x56: {  	[tilespmem:$0x2930] =	vst v20  }
0x57: {  	[tilespmem:$0x2840] =	vst v1;
	v1 =	vld [tilespmem:$0x1FFB0]  }
0x58: {  	[tilespmem:$0x2940] =	vst v21  }
0x59: {  	[tilespmem:$0x2950] =	vst v22  }
0x5a: {  	[tilespmem:$0x2960] =	vst v23  }
0x5b: {  	[tilespmem:$0x2970] =	vst v24  }
0x5c: {  	[tilespmem:$0x2850] =	vst v1;
	v1 =	vld [tilespmem:$0x1FFC0]  }
0x5d: {  	[tilespmem:$0x2980] =	vst v25  }
0x5e: {  	[tilespmem:$0x2990] =	vst v26  }
0x5f: {  	[tilespmem:$0x29A0] =	vst v27  }
0x60: {  	[tilespmem:$0x29B0] =	vst v28  }
0x61: {  	[tilespmem:$0x2860] =	vst v1;
	v1 =	vld [tilespmem:$0x1FFD0]  }
0x62: {  	[tilespmem:$0x29C0] =	vst v29  }
0x63: {  	[tilespmem:$0x29D0] =	vst v30  }
0x64: {  	[tilespmem:$0x29E0] =	vst v31  }
0x65: {  	[tilespmem:$0x29F0] =	vst v32  }
0x66: {  	[tilespmem:$0x2870] =	vst v1;
	v1 =	vld [tilespmem:$0x1FFE0]  }
0x67: {  	[tilespmem:$0x2A00] =	vst v33  }
0x68: {  	[tilespmem:$0x2A10] =	vst v34  }
0x69: {  	[tilespmem:$0x2A20] =	vst v35  }
0x6a: {  	[tilespmem:$0x2A30] =	vst v36  }
0x6b: {  	[tilespmem:$0x2880] =	vst v1;
	v1 =	vld [tilespmem:$0x1FFF0]  }
0x6c: {  	[tilespmem:$0x2A40] =	vst v37  }
0x6d: {  	[tilespmem:$0x2A50] =	vst v38  }
0x6e: {  	[tilespmem:$0x2A60] =	vst v39  }
0x6f: {  	[tilespmem:$0x2A70] =	vst v40  }
0x70: {  	s13 =	rddreg [dreg:$0xc];
	s16 =	simm.s32 $0x2E80;
	[tilespmem:$0x2890] =	vst v1  }
0x71: {  	[tilespmem:s16], [sflag:$0x2] =	stream.linear.gather [hbm4b:s13+s11], $0xD00, $0x38;
	[tilespmem:$0xFC80] =	vst v63  }
0x72: {  	s17 =	rddreg [dreg:$0xd];
	s18 =	simm.s32 $0x4880  }
0x73: {  	[tilespmem:s18], [sflag:$0x2] =	stream.linear.gather [hbm4b:s17+s11], $0x1A00, $0x38;
	[tilespmem:$0xFC80] =	vst v63  }
0x74: {  	s22 =	simm.s32 $0x2800  }
0x75: {  	[tilespmem:s0], [sflag:$0x1] =	stream.indirect.gather [hbm4b:s1+s30], $0x1, s22, s30, $0xb8;
	[tilespmem:$0xFC80] =	vst v63  }
0x76: {  	s16 =	rddreg [dreg:$0x9];
	s17 =	simm.s32 $0x2880  }
0x77: {  	[tilespmem:s16], [sflag:$0x1] =	stream.indirect.gather [hbm4b:s1+s30], $0x1, s17, s30, $0xb8;
	[tilespmem:$0xFC80] =	vst v63  }
0x78: {  	s18 =	rddreg [dreg:$0xa];
	s22 =	simm.s32 $0x2900  }
0x79: {  	[tilespmem:s18], [sflag:$0x1] =	stream.indirect.gather [hbm4b:s1+s30], $0x1, s22, s30, $0xb8;
	[tilespmem:$0xFC80] =	vst v63  }
0x7a: {  	s17 =	rddreg [dreg:$0xb];
	s18 =	simm.s32 $0x2980  }
0x7b: {  	[tilespmem:s17], [sflag:$0x1] =	stream.indirect.gather [hbm4b:s1+s30], $0x1, s18, s30, $0xb8;
	[tilespmem:$0xFC80] =	vst v63  }
0x7c: {  	s22 =	simm.s32 $0x2A00  }
0x7d: {  	[tilespmem:s23], [sflag:$0x1] =	stream.indirect.gather [hbm4b:s1+s30], $0x1, s22, s30, $0xb8;
	[tilespmem:$0xFC80] =	vst v63  }
0x7e: {  	[tilespmem:$0xF480] =	vst v0  }
0x7f: {  	[tilespmem:$0xF490] =	vst v41  }
0x80: {  	[tilespmem:$0xF4A0] =	vst v42  }
0x81: {  	[tilespmem:$0xF4B0] =	vst v43  }
0x82: {  	s13 =	simm.s32 $0x7CC0;
	[tilespmem:$0xF4C0] =	vst v44  }
0x83: {  	[tilespmem:s13+$0xFFFFFFD0] =	vst v45  }
0x84: {  	[tilespmem:s13+$0x0] =	vst v45  }
0x85: {  	[tilespmem:s13+$0xFFFFFFC0] =	vst v45  }
0x86: {  	[tilespmem:s13+$0x30] =	vst v45  }
0x87: {  	[tilespmem:s13+$0xFFFFFFF0] =	vst v45  }
0x88: {  	[tilespmem:s13+$0xFFFFFFE0] =	vst v45  }
0x89: {  	[tilespmem:s13+$0x10] =	vst v45  }
0x8a: {  	s17 =	simm.s32 $0xA4C0;
	[tilespmem:s13+$0x20] =	vst v45  }
0x8b: {  	[tilespmem:s17+$0xFFFFFFC0] =	vst v45  }
0x8c: {  	[tilespmem:s17+$0x30] =	vst v45  }
0x8d: {  	[tilespmem:s17+$0x0] =	vst v45  }
0x8e: {  	[tilespmem:s17+$0x20] =	vst v45  }
0x8f: {  	[tilespmem:s17+$0x10] =	vst v45  }
0x90: {  	[tilespmem:s17+$0xFFFFFFD0] =	vst v45  }
0x91: {  	[tilespmem:s17+$0xFFFFFFE0] =	vst v45  }
0x92: {  	s16 =	simm.s32 $0xCCC0;
	[tilespmem:s17+$0xFFFFFFF0] =	vst v45  }
0x93: {  	[tilespmem:s16+$0xFFFFFFC0] =	vst v45  }
0x94: {  	[tilespmem:s16+$0x30] =	vst v45  }
0x95: {  	[tilespmem:s16+$0x20] =	vst v45  }
0x96: {  	[tilespmem:s16+$0x10] =	vst v45  }
0x97: {  	s18 =	simm.s32 $0x0;
	s22 =	simm.s32 $0xCD40;
	[tilespmem:s16+$0xFFFFFFD0] =	vst v45  }
.LBB2_2:
0x98: {  	s18 =	sadd.s32 $0x8, s18;
	[tilespmem:s16+$0xFFFFFFE0] =	vst v45;
	s13 =	sadd.s32 $0x80, s13;
	s17 =	sadd.s32 $0x80, s17  }
0x99: {  	p2 =	slt.u32 s18, $0x278;
	[tilespmem:s16+$0x0] =	vst v45  }
0x9a: {  	[tilespmem:s16+$0xFFFFFFF0] =	vst v45;
	s16 =	smov.u32 s22  }
0x9b: {  	[tilespmem:s13+$0xFFFFFFD0] =	vst v45  }
0x9c: {  	[tilespmem:s13+$0x0] =	vst v45  }
0x9d: {  	[tilespmem:s13+$0xFFFFFFC0] =	vst v45  }
0x9e: {  	[tilespmem:s17+$0xFFFFFFC0] =	vst v45  }
0x9f: {  	[tilespmem:s22+$0xFFFFFFC0] =	vst v45  }
0xa0: {  	[tilespmem:s13+$0x30] =	vst v45  }
0xa1: {  	[tilespmem:s17+$0x30] =	vst v45  }
0xa2: {  	[tilespmem:s22+$0x30] =	vst v45  }
0xa3: {  	[tilespmem:s17+$0x0] =	vst v45  }
0xa4: {  	[tilespmem:s13+$0xFFFFFFF0] =	vst v45  }
0xa5: {  	[tilespmem:s13+$0xFFFFFFE0] =	vst v45  }
0xa6: {  	[tilespmem:s13+$0x10] =	vst v45  }
0xa7: {  	[tilespmem:s13+$0x20] =	vst v45  }
0xa8: {  	[tilespmem:s17+$0x20] =	vst v45  }
0xa9: {  	[tilespmem:s22+$0x20] =	vst v45  }
0xaa: {  	[tilespmem:s17+$0x10] =	vst v45  }
.Ltmp2:
0xab: {  	[tilespmem:s22+$0x10] =	vst v45;
	(pc) =	sbr.rel @p2 .LBB2_2-.Ltmp2, $4  }
0xac: {  	[tilespmem:s17+$0xFFFFFFD0] =	vst v45  }
0xad: {  	[tilespmem:s17+$0xFFFFFFE0] =	vst v45  }
0xae: {  	[tilespmem:s22+$0xFFFFFFD0] =	vst v45  }
0xaf: {  	s22 =	sadd.s32 $0x80, s22;
	[tilespmem:s17+$0xFFFFFFF0] =	vst v45  }
0xb0: {  	[tilespmem:s16+$0xFFFFFFE0] =	vst v45  }
0xb1: {  	[tilespmem:s16+$0x0] =	vst v45  }
0xb2: {  	[tilespmem:s16+$0xFFFFFFF0] =	vst v45;
	s13 =	simm.s32 @!p0 $0x7C80  }
0xb3: {  	[spmem:s5] =	stream.linear.scatter @!p0 [tilespmem:s13], [sflag:$0x4], $0x2800, $0x38;
	[tilespmem:$0xFC80] =	vst v63  }
0xb4: {  	s13 =	simm.s32 @!p0 $0x4  }
0xb5: {  	_ =	swait.ge @!p0 [sflag:s13], $0x2800  }
0xb6: {  	[sflag:s13] =	ssyncset.done @!p0 $0x0  }
0xb7: {  	s16 =	simm.s32 @!p0 $0xA480;
	[sflag:s13] =	ssyncadd.s32 @!p0 $0xFFFFD800  }
0xb8: {  	[spmem:s6] =	stream.linear.scatter @!p0 [tilespmem:s16], [sflag:$0x4], $0x2800, $0x38;
	[tilespmem:$0xFC80] =	vst v63  }
0xb9: {  	_ =	swait.ge @!p0 [sflag:s13], $0x2800  }
0xba: {  	[sflag:s13] =	ssyncset.done @!p0 $0x0  }
0xbb: {  	s16 =	simm.s32 @!p0 $0xCC80;
	[sflag:s13] =	ssyncadd.s32 @!p0 $0xFFFFD800  }
0xbc: {  	[spmem:s7] =	stream.linear.scatter @!p0 [tilespmem:s16], [sflag:$0x4], $0x2800, $0x38;
	[tilespmem:$0xFC80] =	vst v63  }
0xbd: {  	_ =	swait.ge @!p0 [sflag:s13], $0x2800  }
0xbe: {  	[sflag:s13] =	ssyncset.done @!p0 $0x0  }
0xbf: {  	[sflag:s13] =	ssyncadd.s32 @!p0 $0xFFFFD800  }
0xc0: {  	_ =	swait.ge [sflag:s10], $0x80  }
0xc1: {  	[sflag:s10] =	ssyncset.done $0x0  }
0xc2: {  	[sflag:s10] =	ssyncadd.s32 $0xFFFFFF80  }
0xc3: {  	_ =	swait.ge [sflag:s10], $0x80  }
0xc4: {  	[sflag:s10] =	ssyncset.done $0x0  }
0xc5: {  	[sflag:s10] =	ssyncadd.s32 $0xFFFFFF80  }
0xc6: {  	_ =	swait.ge [sflag:s10], $0x80  }
0xc7: {  	[sflag:s10] =	ssyncset.done $0x0  }
0xc8: {  	[sflag:s10] =	ssyncadd.s32 $0xFFFFFF80  }
0xc9: {  	_ =	swait.ge [sflag:s10], $0x80  }
0xca: {  	[sflag:s10] =	ssyncset.done $0x0  }
0xcb: {  	[sflag:s10] =	ssyncadd.s32 $0xFFFFFF80  }
0xcc: {  	_ =	swait.ge [sflag:s10], $0x80  }
0xcd: {  	[sflag:s10] =	ssyncset.done $0x0  }
0xce: {  	s16 =	rddreg [dreg:$0xe];
	[sflag:s10] =	ssyncadd.s32 $0xFFFFFF80  }
0xcf: {  	[spmem:s16] =	stream.linear.scatter [tilespmem:s0], [sflag:$0x4], $0x280, $0x38;
	[tilespmem:$0xFC80] =	vst v63  }
0xd0: {  	_ =	swait.ge [sflag:s31], $0x280  }
0xd1: {  	[sflag:s31] =	ssyncset.done $0x0  }
0xd2: {  	[sflag:s31] =	ssyncadd.s32 $0xFFFFFD80  }
0xd3: {  	[bflag:$0x0] =	sbarrier.arrive $0xFFFF  }
0xd4: {  	s16 =	simm.s32 $0x0;
	s17 =	rddreg [dreg:$0x7]  }
0xd5: {  	[tilespmem:s16], [sflag:$0x4] =	stream.linear.gather [spmem:s17], $0x2800, $0x38;
	[tilespmem:$0xFC80] =	vst v63  }
0xd6: {  	_ =	swait.ge [sflag:s31], $0x2800  }
0xd7: {  	[sflag:s31] =	ssyncset.done $0x0  }
0xd8: {  	s18 =	rddreg [dreg:$0xf];
	[sflag:s31] =	ssyncadd.s32 $0xFFFFD800  }
0xd9: {  	[tilespmem:s9], [sflag:$0x3] =	stream.linear.gather [hbm4b:s18+s16], $0xD00, $0x38;
	[tilespmem:$0xFC80] =	vst v63  }
0xda: {  	s22 =	rddreg [dreg:$0x10]  }
0xdb: {  	[tilespmem:s21], [sflag:$0x3] =	stream.linear.gather [hbm4b:s22+s16], $0x1A00, $0x38;
	[tilespmem:$0xFC80] =	vst v63  }
.LBB2_4:
0xdc: {  	_ =	swait.ge [sflag:s26], $0xD00  }
0xdd: {  	[sflag:s26] =	ssyncset.done $0x0  }
0xde: {  	[sflag:s26] =	ssyncadd.s32 $0xFFFFF300  }
0xdf: {  	_ =	swait.ge [sflag:s26], $0x1A00  }
0xe0: {  	[sflag:s26] =	ssyncset.done $0x0  }
0xe1: {  	s17 =	simm.s32 $0x2F00;
	[sflag:s26] =	ssyncadd.s32 $0xFFFFE600  }
0xe2: {  	s18 =	simm.s32 $0x4900;
	v50 =	vld [tilespmem:s17+$0x70]  }
0xe3: {  	v51 =	vld [tilespmem:s18+$0x0]  }
0xe4: {  	v52 =	vld [tilespmem:s18+$0xFFFFFF80]  }
0xe5: {  	v47 =	vld [tilespmem:s17+$0xFFFFFF80]  }
0xe6: {  	v53 =	vld [tilespmem:s17+$0x50]  }
0xe7: {  	v54 =	vld [tilespmem:s18+$0x60]  }
0xe8: {  	v55 =	vld [tilespmem:s17+$0xFFFFFFE0]  }
0xe9: {  	v56 =	vld [tilespmem:s17+$0x60]  }
0xea: {  	v57 =	vld [tilespmem:s18+$0xFFFFFFA0]  }
0xeb: {  	v49 =	vld [tilespmem:s18+$0x70]  }
0xec: {  	v58 =	vld [tilespmem:s18+$0xFFFFFFF0]  }
0xed: {  	v60 =	vld [tilespmem:s17+$0xFFFFFFF0]  }
0xee: {  	v61 =	vld [tilespmem:s18+$0x10]  }
0xef: {  	v62 =	vld [tilespmem:s18+$0xFFFFFF90]  }
0xf0: {  	v48 =	vld [tilespmem:s17+$0x0]  }
0xf1: {  	v63 =	vld [tilespmem:s18+$0x20]  }
0xf2: {  	v1 =	vld [tilespmem:s18+$0xFFFFFFE0]  }
0xf3: {  	v2 =	vld [tilespmem:s17+$0xFFFFFF90]  }
0xf4: {  	v3 =	vld [tilespmem:s17+$0xFFFFFFA0]  }
0xf5: {  	v4 =	vld [tilespmem:s18+$0x30]  }
0xf6: {  	v5 =	vld [tilespmem:s18+$0xFFFFFFB0]  }
0xf7: {  	v6 =	vld [tilespmem:s18+$0x40];
	(erf) = vrcp.f32 v58  }
0xf8: {  	v8 =	vld [tilespmem:s18+$0x50];
	(erf) = vrcp.f32 v49  }
0xf9: {  	v58 =	vld.idx.msk [tilespmem:v50+s11+$0x0], $0xffff  }
0xfa: {  	v60 =	vld.idx.msk [tilespmem:v60+s11+$0x0], $0xffff  }
0xfb: {  	v10 =	vld [tilespmem:s18+$0xFFFFFFD0]  }
0xfc: {  	v49 =	vld [tilespmem:s17+$0x20]  }
0xfd: {  	v59 =	vld.idx.msk [tilespmem:v47+s11+$0x0], $0xffff  }
0xfe: {  	v47 =	vld [tilespmem:s17+$0x10]  }
0xff: {  	v3 =	vld.idx.msk [tilespmem:v3+s11+$0x0], $0xffff;
	v58 =	vsub.f32 v58, v60  }
0x100: {  	v60 =	vld [tilespmem:s18+$0xFFFFFFC0];
	v7 =	vpop (erf)  }
0x101: {  	(erf) = vrcp.f32 v51;
	v51 =	vld [tilespmem:s17+$0xFFFFFFC0];
	v7 =	vmul.f32 v7, v58;
	v9 =	vpop (erf)  }
0x102: {  	v9 =	vmul.f32 v9, v58;
	v58 =	vld [tilespmem:s17+$0x40]  }
0x103: {  	[tilespmem:v50+s28+$0x0] =	vst.idx.add.f32.msk $0xffff, v7  }
0x104: {  	[tilespmem:v50+s29+$0x0] =	vst.idx.add.f32.msk $0xffff, v9  }
0x105: {  	(erf) = vrcp.f32 v57;
	v9 =	vld [tilespmem:s17+$0xFFFFFFD0]  }
0x106: {  	(erf) = vrcp.f32 v54;
	v54 =	vld [tilespmem:s17+$0xFFFFFFB0]  }
0x107: {  	v7 =	vld.idx.msk [tilespmem:v49+s11+$0x0], $0xffff  }
0x108: {  	(erf) = vrcp.f32 v1;
	v1 =	vld.idx.msk [tilespmem:v56+s11+$0x0], $0xffff  }
0x109: {  	(erf) = vrcp.f32 v6;
	v6 =	vld.idx.msk [tilespmem:v55+s11+$0x0], $0xffff  }
0x10a: {  	[tilespmem:v50+s2+$0x0] =	vst.idx.add.f32.msk $0xffff, v46  }
0x10b: {  	v50 =	vld [tilespmem:s17+$0x30]  }
0x10c: {  	(erf) = vrcp.f32 v10;
	v10 =	vld.idx.msk [tilespmem:v53+s11+$0x0], $0xffff  }
0x10d: {  	(erf) = vrcp.f32 v8;
	v8 =	vld.idx.msk [tilespmem:v9+s11+$0x0], $0xffff  }
0x10e: {  	v2 =	vld.idx.msk [tilespmem:v2+s11+$0x0], $0xffff;
	(erf) = vrcp.f32 v60;
	v55 =	vpop (erf)  }
0x10f: {  	v51 =	vld.idx.msk [tilespmem:v51+s11+$0x0], $0xffff;
	(erf) = vrcp.f32 v4;
	v57 =	vpop (erf)  }
0x110: {  	v3 =	vsub.f32 v7, v3;
	v1 =	vsub.f32 v1, v6;
	(erf) = vrcp.f32 v5;
	v5 =	vld.idx.msk [tilespmem:v54+s11+$0x0], $0xffff;
	v6 =	vpop (erf)  }
0x111: {  	v54 =	vld.idx.msk [tilespmem:v47+s11+$0x0], $0xffff;
	v60 =	vpop (erf)  }
0x112: {  	v7 =	vmul.f32 v57, v3;
	v9 =	vld.idx.msk [tilespmem:v58+s11+$0x0], $0xffff;
	v8 =	vsub.f32 v10, v8;
	v10 =	vmul.f32 v60, v1  }
0x113: {  	(erf) = vrcp.f32 v61;
	v4 =	vld.idx.msk [tilespmem:v50+s11+$0x0], $0xffff  }
0x114: {  	(erf) = vrcp.f32 v62;
	v61 =	vpop (erf);
	[tilespmem:v49+s28+$0x0] =	vst.idx.add.f32.msk $0xffff, v7  }
0x115: {  	(erf) = vrcp.f32 v63;
	v63 =	vld.idx.msk [tilespmem:v48+s11+$0x0], $0xffff;
	v62 =	vpop (erf);
	v1 =	vmul.f32 v6, v1  }
0x116: {  	v7 =	vmul.f32 v62, v8;
	[tilespmem:v56+s28+$0x0] =	vst.idx.add.f32.msk $0xffff, v10;
	v10 =	vpop (erf)  }
0x117: {  	(erf) = vrcp.f32 v52;
	[tilespmem:v56+s29+$0x0] =	vst.idx.add.f32.msk $0xffff, v1;
	v8 =	vmul.f32 v10, v8  }
0x118: {  	v9 =	vsub.f32 v9, v51;
	[tilespmem:v53+s28+$0x0] =	vst.idx.add.f32.msk $0xffff, v7  }
0x119: {  	[tilespmem:v56+s2+$0x0] =	vst.idx.add.f32.msk $0xffff, v46;
	v10 =	vpop (erf)  }
0x11a: {  	v52 =	vmul.f32 v10, v9;
	v60 =	vpop (erf);
	[tilespmem:v53+s29+$0x0] =	vst.idx.add.f32.msk $0xffff, v8  }
0x11b: {  	v4 =	vsub.f32 v4, v5;
	v61 =	vmul.f32 v61, v9;
	[tilespmem:v53+s2+$0x0] =	vst.idx.add.f32.msk $0xffff, v46;
	v8 =	vpop (erf)  }
0x11c: {  	[tilespmem:v58+s28+$0x0] =	vst.idx.add.f32.msk $0xffff, v52;
	v62 =	vpop (erf)  }
0x11d: {  	v2 =	vsub.f32 v54, v2;
	[tilespmem:v58+s29+$0x0] =	vst.idx.add.f32.msk $0xffff, v61;
	v8 =	vmul.f32 v8, v4;
	v1 =	vpop (erf)  }
0x11e: {  	v63 =	vsub.f32 v63, v59;
	[tilespmem:v58+s2+$0x0] =	vst.idx.add.f32.msk $0xffff, v46;
	v4 =	vmul.f32 v60, v4;
	v9 =	vpop (erf)  }
0x11f: {  	[tilespmem:v50+s28+$0x0] =	vst.idx.add.f32.msk $0xffff, v8;
	v3 =	vmul.f32 v9, v3  }
0x120: {  	v53 =	vmul.f32 v55, v63;
	v52 =	vmul.f32 v1, v2;
	v1 =	vpop (erf);
	[tilespmem:v50+s29+$0x0] =	vst.idx.add.f32.msk $0xffff, v4  }
0x121: {  	s13 =	simm.s32 $0x0;
	v51 =	vmul.f32 v62, v2;
	v54 =	vmul.f32 v1, v63;
	[tilespmem:v49+s29+$0x0] =	vst.idx.add.f32.msk $0xffff, v3  }
.LBB2_5:
0x122: {  	s13 =	sadd.s32 $0x8, s13;
	[tilespmem:v50+s2+$0x0] =	vst.idx.add.f32.msk $0xffff, v46;
	s18 =	sadd.s32 $0x200, s18;
	s17 =	sadd.s32 $0x100, s17  }
0x123: {  	p2 =	slt.u32 s13, $0x60;
	[tilespmem:v47+s28+$0x0] =	vst.idx.add.f32.msk $0xffff, v52  }
0x124: {  	[tilespmem:v49+s2+$0x0] =	vst.idx.add.f32.msk $0xffff, v46  }
0x125: {  	[tilespmem:v48+s28+$0x0] =	vst.idx.add.f32.msk $0xffff, v54  }
0x126: {  	[tilespmem:v48+s29+$0x0] =	vst.idx.add.f32.msk $0xffff, v53  }
0x127: {  	[tilespmem:v48+s2+$0x0] =	vst.idx.add.f32.msk $0xffff, v46  }
0x128: {  	[tilespmem:v47+s29+$0x0] =	vst.idx.add.f32.msk $0xffff, v51  }
0x129: {  	[tilespmem:v47+s2+$0x0] =	vst.idx.add.f32.msk $0xffff, v46  }
0x12a: {  	v1 =	vld [tilespmem:s17+$0x70]  }
0x12b: {  	v2 =	vld [tilespmem:s18+$0x0]  }
0x12c: {  	v3 =	vld [tilespmem:s18+$0xFFFFFF80]  }
0x12d: {  	v4 =	vld [tilespmem:s17+$0xFFFFFF80]  }
0x12e: {  	v52 =	vld [tilespmem:s17+$0x50]  }
0x12f: {  	v5 =	vld [tilespmem:s18+$0x60]  }
0x130: {  	v6 =	vld [tilespmem:s17+$0xFFFFFFE0]  }
0x131: {  	v51 =	vld [tilespmem:s17+$0x60]  }
0x132: {  	v7 =	vld [tilespmem:s18+$0xFFFFFFA0]  }
0x133: {  	v8 =	vld [tilespmem:s18+$0x70]  }
0x134: {  	v9 =	vld [tilespmem:s18+$0xFFFFFFF0]  }
0x135: {  	v53 =	vld.idx.msk [tilespmem:v4+s11+$0x0], $0xffff  }
0x136: {  	v4 =	vld [tilespmem:s17+$0xFFFFFFF0]  }
0x137: {  	v10 =	vld [tilespmem:s18+$0x10]  }
0x138: {  	v54 =	vld [tilespmem:s18+$0xFFFFFF90]  }
0x139: {  	v48 =	vld [tilespmem:s17+$0x0]  }
0x13a: {  	v55 =	vld [tilespmem:s18+$0x20]  }
0x13b: {  	v47 =	vld [tilespmem:s17+$0x10]  }
0x13c: {  	v56 =	vld [tilespmem:s18+$0xFFFFFFE0];
	(erf) = vrcp.f32 v9  }
0x13d: {  	v9 =	vld.idx.msk [tilespmem:v1+s11+$0x0], $0xffff;
	(erf) = vrcp.f32 v8  }
0x13e: {  	v4 =	vld.idx.msk [tilespmem:v4+s11+$0x0], $0xffff  }
0x13f: {  	v8 =	vld [tilespmem:s17+$0xFFFFFF90]  }
0x140: {  	v49 =	vld [tilespmem:s17+$0x20]  }
0x141: {  	v50 =	vld [tilespmem:s17+$0xFFFFFFA0]  }
0x142: {  	v57 =	vld [tilespmem:s18+$0x30]  }
0x143: {  	v58 =	vld [tilespmem:s18+$0xFFFFFFB0]  }
0x144: {  	v4 =	vsub.f32 v9, v4;
	v59 =	vld [tilespmem:s18+$0x40]  }
0x145: {  	v9 =	vld [tilespmem:s18+$0xFFFFFFC0];
	v60 =	vpop (erf)  }
0x146: {  	v61 =	vld [tilespmem:s18+$0x50];
	v60 =	vmul.f32 v60, v4;
	v62 =	vpop (erf)  }
0x147: {  	v63 =	vld [tilespmem:s18+$0xFFFFFFD0];
	v4 =	vmul.f32 v62, v4  }
0x148: {  	[tilespmem:v1+s28+$0x0] =	vst.idx.add.f32.msk $0xffff, v60  }
0x149: {  	[tilespmem:v1+s29+$0x0] =	vst.idx.add.f32.msk $0xffff, v4  }
0x14a: {  	[tilespmem:v1+s2+$0x0] =	vst.idx.add.f32.msk $0xffff, v46  }
0x14b: {  	v1 =	vld.idx.msk [tilespmem:v49+s11+$0x0], $0xffff  }
0x14c: {  	v4 =	vld.idx.msk [tilespmem:v50+s11+$0x0], $0xffff  }
0x14d: {  	v60 =	vld [tilespmem:s17+$0xFFFFFFD0]  }
0x14e: {  	v62 =	vld [tilespmem:s17+$0x40];
	(erf) = vrcp.f32 v2  }
0x14f: {  	v2 =	vld [tilespmem:s17+$0xFFFFFFC0];
	(erf) = vrcp.f32 v7  }
0x150: {  	v50 =	vld [tilespmem:s17+$0x30];
	(erf) = vrcp.f32 v5  }
0x151: {  	v5 =	vld [tilespmem:s17+$0xFFFFFFB0];
	(erf) = vrcp.f32 v56  }
0x152: {  	v7 =	vld.idx.msk [tilespmem:v51+s11+$0x0], $0xffff;
	(erf) = vrcp.f32 v59  }
0x153: {  	v6 =	vld.idx.msk [tilespmem:v6+s11+$0x0], $0xffff;
	(erf) = vrcp.f32 v63  }
0x154: {  	v56 =	vld.idx.msk [tilespmem:v52+s11+$0x0], $0xffff;
	(erf) = vrcp.f32 v61  }
0x155: {  	v59 =	vld.idx.msk [tilespmem:v60+s11+$0x0], $0xffff;
	(erf) = vrcp.f32 v9  }
0x156: {  	v9 =	vld.idx.msk [tilespmem:v62+s11+$0x0], $0xffff;
	(erf) = vrcp.f32 v57  }
0x157: {  	v2 =	vld.idx.msk [tilespmem:v2+s11+$0x0], $0xffff;
	v57 =	vpop (erf);
	(erf) = vrcp.f32 v58  }
0x158: {  	v1 =	vsub.f32 v1, v4;
	v4 =	vld.idx.msk [tilespmem:v50+s11+$0x0], $0xffff;
	(erf) = vrcp.f32 v10;
	v10 =	vpop (erf)  }
0x159: {  	v6 =	vsub.f32 v7, v6;
	v5 =	vld.idx.msk [tilespmem:v5+s11+$0x0], $0xffff;
	(erf) = vrcp.f32 v54;
	v7 =	vpop (erf)  }
0x15a: {  	v10 =	vmul.f32 v10, v1;
	v54 =	vld.idx.msk [tilespmem:v47+s11+$0x0], $0xffff;
	(erf) = vrcp.f32 v55;
	v55 =	vpop (erf)  }
0x15b: {  	v56 =	vsub.f32 v56, v59;
	v8 =	vld.idx.msk [tilespmem:v8+s11+$0x0], $0xffff;
	v58 =	vmul.f32 v55, v6;
	v6 =	vmul.f32 v7, v6;
	v7 =	vpop (erf)  }
0x15c: {  	[tilespmem:v49+s28+$0x0] =	vst.idx.add.f32.msk $0xffff, v10;
	(erf) = vrcp.f32 v3;
	v3 =	vpop (erf)  }
0x15d: {  	v2 =	vsub.f32 v9, v2;
	v59 =	vmul.f32 v3, v56;
	[tilespmem:v51+s28+$0x0] =	vst.idx.add.f32.msk $0xffff, v58;
	v9 =	vpop (erf)  }
0x15e: {  	v10 =	vld.idx.msk [tilespmem:v48+s11+$0x0], $0xffff;
	v9 =	vmul.f32 v9, v56;
	v55 =	vpop (erf)  }
0x15f: {  	v56 =	vsub.f32 v4, v5;
	v55 =	vmul.f32 v55, v2;
	[tilespmem:v52+s28+$0x0] =	vst.idx.add.f32.msk $0xffff, v59;
	v3 =	vpop (erf)  }
0x160: {  	v2 =	vmul.f32 v7, v2;
	[tilespmem:v52+s29+$0x0] =	vst.idx.add.f32.msk $0xffff, v9;
	v7 =	vpop (erf)  }
0x161: {  	v3 =	vmul.f32 v3, v56;
	v7 =	vmul.f32 v7, v56;
	[tilespmem:v52+s2+$0x0] =	vst.idx.add.f32.msk $0xffff, v46;
	v4 =	vpop (erf)  }
0x162: {  	[tilespmem:v62+s28+$0x0] =	vst.idx.add.f32.msk $0xffff, v55;
	v5 =	vpop (erf)  }
0x163: {  	v8 =	vsub.f32 v54, v8;
	[tilespmem:v51+s29+$0x0] =	vst.idx.add.f32.msk $0xffff, v6;
	v6 =	vpop (erf)  }
0x164: {  	v9 =	vsub.f32 v10, v53;
	v1 =	vmul.f32 v6, v1;
	[tilespmem:v51+s2+$0x0] =	vst.idx.add.f32.msk $0xffff, v46  }
.Ltmp3:
0x165: {  	v52 =	vmul.f32 v5, v8;
	v51 =	vmul.f32 v4, v8;
	[tilespmem:v62+s29+$0x0] =	vst.idx.add.f32.msk $0xffff, v2;
	v2 =	vpop (erf);
	(pc) =	sbr.rel @p2 .LBB2_5-.Ltmp3, $4  }
0x166: {  	v53 =	vmul.f32 v57, v9;
	v54 =	vmul.f32 v2, v9;
	[tilespmem:v62+s2+$0x0] =	vst.idx.add.f32.msk $0xffff, v46  }
0x167: {  	[tilespmem:v50+s28+$0x0] =	vst.idx.add.f32.msk $0xffff, v7  }
0x168: {  	[tilespmem:v49+s29+$0x0] =	vst.idx.add.f32.msk $0xffff, v1  }
0x169: {  	[tilespmem:v50+s29+$0x0] =	vst.idx.add.f32.msk $0xffff, v3  }
0x16a: {  	_ =	sdelay $0x3  }
0x16b: {  	[tilespmem:v50+s2+$0x0] =	vst.idx.add.f32.msk $0xffff, v46  }
0x16c: {  	[tilespmem:v47+s28+$0x0] =	vst.idx.add.f32.msk $0xffff, v52  }
0x16d: {  	[tilespmem:v49+s2+$0x0] =	vst.idx.add.f32.msk $0xffff, v46;
	p2 =	seq.s32 s16, $0x2  }
0x16e: {  	[tilespmem:v48+s28+$0x0] =	vst.idx.add.f32.msk $0xffff, v54;
	s13 =	smul.u32 @!p2 $0xD00, s16  }
0x16f: {  	[tilespmem:v48+s29+$0x0] =	vst.idx.add.f32.msk $0xffff, v53  }
0x170: {  	[tilespmem:v47+s29+$0x0] =	vst.idx.add.f32.msk $0xffff, v51;
	s13 =	sadd.s32 @!p2 s13, s19  }
0x171: {  	s18 =	simm.s32 @!p2 $0x0;
	[tilespmem:v48+s2+$0x0] =	vst.idx.add.f32.msk $0xffff, v46;
	s17 =	sshrl.u32 @!p2 s13, $0x2  }
0x172: {  	s22 =	simm.s32 @!p2 $0x2E80;
	[tilespmem:v47+s2+$0x0] =	vst.idx.add.f32.msk $0xffff, v46;
	s13 =	sshrl.u32 @!p2 s13, $0x1;
	s17 =	sadd.s32 @!p2 s3, s17  }
0x173: {  	[tilespmem:s22], [sflag:$0x2] =	stream.linear.gather @!p2 [hbm4b:s17+s18], $0xD00, $0x38;
	[tilespmem:$0xFC80] =	vst v63  }
0x174: {  	s13 =	sadd.s32 @!p2 s4, s13;
	s17 =	simm.s32 @!p2 $0x4880  }
0x175: {  	[tilespmem:s17], [sflag:$0x2] =	stream.linear.gather @!p2 [hbm4b:s13+s18], $0x1A00, $0x38;
	[tilespmem:$0xFC80] =	vst v63  }
0x176: {  	_ =	swait.ge [sflag:s8], $0xD00  }
0x177: {  	[sflag:s8] =	ssyncset.done $0x0  }
0x178: {  	[sflag:s8] =	ssyncadd.s32 $0xFFFFF300  }
0x179: {  	_ =	swait.ge [sflag:s8], $0x1A00  }
0x17a: {  	[sflag:s8] =	ssyncset.done $0x0  }
0x17b: {  	s17 =	simm.s32 $0x3C00;
	[sflag:s8] =	ssyncadd.s32 $0xFFFFE600  }
0x17c: {  	s18 =	simm.s32 $0x6300;
	v1 =	vld [tilespmem:s17+$0x70]  }
0x17d: {  	v2 =	vld [tilespmem:s18+$0x0]  }
0x17e: {  	v3 =	vld [tilespmem:s18+$0xFFFFFF80]  }
0x17f: {  	v4 =	vld [tilespmem:s17+$0xFFFFFF80]  }
0x180: {  	v5 =	vld [tilespmem:s17+$0x50]  }
0x181: {  	v6 =	vld [tilespmem:s18+$0x60]  }
0x182: {  	v7 =	vld [tilespmem:s17+$0xFFFFFFE0]  }
0x183: {  	v8 =	vld [tilespmem:s17+$0x60]  }
0x184: {  	v9 =	vld [tilespmem:s18+$0xFFFFFFA0]  }
0x185: {  	v10 =	vld [tilespmem:s18+$0x70]  }
0x186: {  	v61 =	vld [tilespmem:s18+$0xFFFFFFF0]  }
0x187: {  	v62 =	vld [tilespmem:s17+$0xFFFFFFF0]  }
0x188: {  	v51 =	vld [tilespmem:s18+$0x10]  }
0x189: {  	v52 =	vld [tilespmem:s18+$0xFFFFFF90]  }
0x18a: {  	v48 =	vld [tilespmem:s17+$0x0]  }
0x18b: {  	v53 =	vld [tilespmem:s18+$0x20]  }
0x18c: {  	v47 =	vld [tilespmem:s17+$0x10]  }
0x18d: {  	v54 =	vld [tilespmem:s18+$0xFFFFFFE0]  }
0x18e: {  	v56 =	vld [tilespmem:s17+$0xFFFFFF90]  }
0x18f: {  	v49 =	vld [tilespmem:s17+$0x20]  }
0x190: {  	v50 =	vld [tilespmem:s17+$0xFFFFFFA0]  }
0x191: {  	v57 =	vld [tilespmem:s18+$0x30]  }
0x192: {  	v58 =	vld [tilespmem:s18+$0xFFFFFFB0];
	(erf) = vrcp.f32 v61  }
0x193: {  	v59 =	vld [tilespmem:s18+$0x40];
	(erf) = vrcp.f32 v10  }
0x194: {  	v55 =	vld.idx.msk [tilespmem:v1+s11+$0x0], $0xffff  }
0x195: {  	v10 =	vld.idx.msk [tilespmem:v62+s11+$0x0], $0xffff  }
0x196: {  	v63 =	vld [tilespmem:s18+$0xFFFFFFD0]  }
0x197: {  	v61 =	vld [tilespmem:s18+$0x50]  }
0x198: {  	v4 =	vld.idx.msk [tilespmem:v4+s11+$0x0], $0xffff  }
0x199: {  	v7 =	vld.idx.msk [tilespmem:v7+s11+$0x0], $0xffff  }
0x19a: {  	v10 =	vsub.f32 v55, v10;
	v55 =	vld [tilespmem:s18+$0xFFFFFFC0]  }
0x19b: {  	v60 =	vpop (erf);
	(erf) = vrcp.f32 v2;
	v2 =	vld [tilespmem:s17+$0xFFFFFFC0]  }
0x19c: {  	v62 =	vpop (erf);
	(erf) = vrcp.f32 v9;
	v9 =	vld.idx.msk [tilespmem:v8+s11+$0x0], $0xffff  }
0x19d: {  	v60 =	vmul.f32 v60, v10;
	v10 =	vmul.f32 v62, v10;
	v62 =	vld [tilespmem:s17+$0x40]  }
0x19e: {  	(erf) = vrcp.f32 v6;
	v6 =	vld [tilespmem:s17+$0xFFFFFFB0]  }
0x19f: {  	[tilespmem:v1+s28+$0x0] =	vst.idx.add.f32.msk $0xffff, v60  }
0x1a0: {  	v60 =	vld [tilespmem:s17+$0xFFFFFFD0]  }
0x1a1: {  	[tilespmem:v1+s29+$0x0] =	vst.idx.add.f32.msk $0xffff, v10  }
0x1a2: {  	v10 =	vld.idx.msk [tilespmem:v50+s11+$0x0], $0xffff  }
0x1a3: {  	(erf) = vrcp.f32 v54;
	v50 =	vld [tilespmem:s17+$0x30]  }
0x1a4: {  	[tilespmem:v1+s2+$0x0] =	vst.idx.add.f32.msk $0xffff, v46  }
0x1a5: {  	(erf) = vrcp.f32 v59;
	v1 =	vld.idx.msk [tilespmem:v49+s11+$0x0], $0xffff  }
0x1a6: {  	v54 =	vld.idx.msk [tilespmem:v5+s11+$0x0], $0xffff;
	(erf) = vrcp.f32 v63  }
0x1a7: {  	(erf) = vrcp.f32 v61;
	v2 =	vld.idx.msk [tilespmem:v2+s11+$0x0], $0xffff  }
0x1a8: {  	(erf) = vrcp.f32 v55;
	v55 =	vld.idx.msk [tilespmem:v62+s11+$0x0], $0xffff  }
0x1a9: {  	v59 =	vld.idx.msk [tilespmem:v60+s11+$0x0], $0xffff;
	v60 =	vpop (erf)  }
0x1aa: {  	v1 =	vsub.f32 v1, v10;
	v6 =	vld.idx.msk [tilespmem:v6+s11+$0x0], $0xffff;
	(erf) = vrcp.f32 v57;
	v63 =	vpop (erf)  }
0x1ab: {  	v7 =	vsub.f32 v9, v7;
	v10 =	vld.idx.msk [tilespmem:v50+s11+$0x0], $0xffff;
	(erf) = vrcp.f32 v58;
	v9 =	vpop (erf)  }
0x1ac: {  	(erf) = vrcp.f32 v51;
	v51 =	vld.idx.msk [tilespmem:v47+s11+$0x0], $0xffff;
	v57 =	vmul.f32 v63, v1;
	v61 =	vpop (erf)  }
0x1ad: {  	(erf) = vrcp.f32 v52;
	v52 =	vld.idx.msk [tilespmem:v56+s11+$0x0], $0xffff;
	v63 =	vmul.f32 v61, v7  }
0x1ae: {  	v58 =	vpop (erf);
	(erf) = vrcp.f32 v53;
	[tilespmem:v49+s28+$0x0] =	vst.idx.add.f32.msk $0xffff, v57  }
0x1af: {  	v57 =	vld.idx.msk [tilespmem:v48+s11+$0x0], $0xffff;
	v7 =	vmul.f32 v9, v7;
	v54 =	vsub.f32 v54, v59  }
0x1b0: {  	v61 =	vpop (erf);
	[tilespmem:v8+s28+$0x0] =	vst.idx.add.f32.msk $0xffff, v63  }
0x1b1: {  	v2 =	vsub.f32 v55, v2;
	(erf) = vrcp.f32 v3;
	v53 =	vmul.f32 v61, v54;
	[tilespmem:v8+s29+$0x0] =	vst.idx.add.f32.msk $0xffff, v7;
	v63 =	vpop (erf)  }
0x1b2: {  	[tilespmem:v8+s2+$0x0] =	vst.idx.add.f32.msk $0xffff, v46;
	v54 =	vmul.f32 v63, v54;
	v3 =	vpop (erf)  }
0x1b3: {  	[tilespmem:v5+s28+$0x0] =	vst.idx.add.f32.msk $0xffff, v53;
	v3 =	vmul.f32 v3, v2;
	v9 =	vpop (erf)  }
0x1b4: {  	v2 =	vmul.f32 v58, v2;
	[tilespmem:v5+s29+$0x0] =	vst.idx.add.f32.msk $0xffff, v54;
	v59 =	vpop (erf)  }
0x1b5: {  	[tilespmem:v62+s28+$0x0] =	vst.idx.add.f32.msk $0xffff, v3;
	v3 =	vsub.f32 v10, v6;
	v61 =	vpop (erf)  }
0x1b6: {  	v63 =	vpop (erf);
	[tilespmem:v62+s29+$0x0] =	vst.idx.add.f32.msk $0xffff, v2;
	v2 =	vsub.f32 v51, v52  }
0x1b7: {  	[tilespmem:v5+s2+$0x0] =	vst.idx.add.f32.msk $0xffff, v46;
	v5 =	vmul.f32 v59, v3;
	v8 =	vpop (erf)  }
0x1b8: {  	[tilespmem:v62+s2+$0x0] =	vst.idx.add.f32.msk $0xffff, v46;
	v1 =	vmul.f32 v8, v1  }
0x1b9: {  	v4 =	vsub.f32 v57, v4;
	v3 =	vmul.f32 v9, v3;
	[tilespmem:v50+s28+$0x0] =	vst.idx.add.f32.msk $0xffff, v5  }
0x1ba: {  	v52 =	vmul.f32 v63, v2;
	v51 =	vmul.f32 v61, v2;
	v2 =	vpop (erf);
	[tilespmem:v49+s29+$0x0] =	vst.idx.add.f32.msk $0xffff, v1  }
0x1bb: {  	s13 =	simm.s32 $0x0;
	v53 =	vmul.f32 v60, v4;
	[tilespmem:v50+s29+$0x0] =	vst.idx.add.f32.msk $0xffff, v3;
	v54 =	vmul.f32 v2, v4  }
.LBB2_7:
0x1bc: {  	s13 =	sadd.s32 $0x8, s13;
	[tilespmem:v50+s2+$0x0] =	vst.idx.add.f32.msk $0xffff, v46;
	s18 =	sadd.s32 $0x200, s18;
	s17 =	sadd.s32 $0x100, s17  }
0x1bd: {  	p3 =	slt.u32 s13, $0x60;
	[tilespmem:v47+s28+$0x0] =	vst.idx.add.f32.msk $0xffff, v52  }
0x1be: {  	[tilespmem:v49+s2+$0x0] =	vst.idx.add.f32.msk $0xffff, v46  }
0x1bf: {  	[tilespmem:v48+s28+$0x0] =	vst.idx.add.f32.msk $0xffff, v54  }
0x1c0: {  	[tilespmem:v48+s29+$0x0] =	vst.idx.add.f32.msk $0xffff, v53  }
0x1c1: {  	[tilespmem:v48+s2+$0x0] =	vst.idx.add.f32.msk $0xffff, v46  }
0x1c2: {  	[tilespmem:v47+s29+$0x0] =	vst.idx.add.f32.msk $0xffff, v51  }
0x1c3: {  	[tilespmem:v47+s2+$0x0] =	vst.idx.add.f32.msk $0xffff, v46  }
0x1c4: {  	v1 =	vld [tilespmem:s17+$0x70]  }
0x1c5: {  	v2 =	vld [tilespmem:s18+$0x0]  }
0x1c6: {  	v3 =	vld [tilespmem:s18+$0xFFFFFF80]  }
0x1c7: {  	v4 =	vld [tilespmem:s17+$0xFFFFFF80]  }
0x1c8: {  	v52 =	vld [tilespmem:s17+$0x50]  }
0x1c9: {  	v5 =	vld [tilespmem:s18+$0x60]  }
0x1ca: {  	v6 =	vld [tilespmem:s17+$0xFFFFFFE0]  }
0x1cb: {  	v51 =	vld [tilespmem:s17+$0x60]  }
0x1cc: {  	v7 =	vld [tilespmem:s18+$0xFFFFFFA0]  }
0x1cd: {  	v8 =	vld [tilespmem:s18+$0x70]  }
0x1ce: {  	v9 =	vld [tilespmem:s18+$0xFFFFFFF0]  }
0x1cf: {  	v53 =	vld.idx.msk [tilespmem:v4+s11+$0x0], $0xffff  }
0x1d0: {  	v4 =	vld [tilespmem:s17+$0xFFFFFFF0]  }
0x1d1: {  	v10 =	vld [tilespmem:s18+$0x10]  }
0x1d2: {  	v54 =	vld [tilespmem:s18+$0xFFFFFF90]  }
0x1d3: {  	v48 =	vld [tilespmem:s17+$0x0]  }
0x1d4: {  	v55 =	vld [tilespmem:s18+$0x20]  }
0x1d5: {  	v47 =	vld [tilespmem:s17+$0x10]  }
0x1d6: {  	v56 =	vld [tilespmem:s18+$0xFFFFFFE0];
	(erf) = vrcp.f32 v9  }
0x1d7: {  	v9 =	vld.idx.msk [tilespmem:v1+s11+$0x0], $0xffff;
	(erf) = vrcp.f32 v8  }
0x1d8: {  	v4 =	vld.idx.msk [tilespmem:v4+s11+$0x0], $0xffff  }
0x1d9: {  	v8 =	vld [tilespmem:s17+$0xFFFFFF90]  }
0x1da: {  	v49 =	vld [tilespmem:s17+$0x20]  }
0x1db: {  	v50 =	vld [tilespmem:s17+$0xFFFFFFA0]  }
0x1dc: {  	v57 =	vld [tilespmem:s18+$0x30]  }
0x1dd: {  	v58 =	vld [tilespmem:s18+$0xFFFFFFB0]  }
0x1de: {  	v4 =	vsub.f32 v9, v4;
	v59 =	vld [tilespmem:s18+$0x40]  }
0x1df: {  	v9 =	vld [tilespmem:s18+$0xFFFFFFC0];
	v60 =	vpop (erf)  }
0x1e0: {  	v61 =	vld [tilespmem:s18+$0x50];
	v60 =	vmul.f32 v60, v4;
	v62 =	vpop (erf)  }
0x1e1: {  	v63 =	vld [tilespmem:s18+$0xFFFFFFD0];
	v4 =	vmul.f32 v62, v4  }
0x1e2: {  	[tilespmem:v1+s28+$0x0] =	vst.idx.add.f32.msk $0xffff, v60  }
0x1e3: {  	[tilespmem:v1+s29+$0x0] =	vst.idx.add.f32.msk $0xffff, v4  }
0x1e4: {  	[tilespmem:v1+s2+$0x0] =	vst.idx.add.f32.msk $0xffff, v46  }
0x1e5: {  	v1 =	vld.idx.msk [tilespmem:v49+s11+$0x0], $0xffff  }
0x1e6: {  	v4 =	vld.idx.msk [tilespmem:v50+s11+$0x0], $0xffff  }
0x1e7: {  	v60 =	vld [tilespmem:s17+$0xFFFFFFD0]  }
0x1e8: {  	v62 =	vld [tilespmem:s17+$0x40];
	(erf) = vrcp.f32 v2  }
0x1e9: {  	v2 =	vld [tilespmem:s17+$0xFFFFFFC0];
	(erf) = vrcp.f32 v7  }
0x1ea: {  	v50 =	vld [tilespmem:s17+$0x30];
	(erf) = vrcp.f32 v5  }
0x1eb: {  	v5 =	vld [tilespmem:s17+$0xFFFFFFB0];
	(erf) = vrcp.f32 v56  }
0x1ec: {  	v7 =	vld.idx.msk [tilespmem:v51+s11+$0x0], $0xffff;
	(erf) = vrcp.f32 v59  }
0x1ed: {  	v6 =	vld.idx.msk [tilespmem:v6+s11+$0x0], $0xffff;
	(erf) = vrcp.f32 v63  }
0x1ee: {  	v56 =	vld.idx.msk [tilespmem:v52+s11+$0x0], $0xffff;
	(erf) = vrcp.f32 v61  }
0x1ef: {  	v59 =	vld.idx.msk [tilespmem:v60+s11+$0x0], $0xffff;
	(erf) = vrcp.f32 v9  }
0x1f0: {  	v9 =	vld.idx.msk [tilespmem:v62+s11+$0x0], $0xffff;
	(erf) = vrcp.f32 v57  }
0x1f1: {  	v2 =	vld.idx.msk [tilespmem:v2+s11+$0x0], $0xffff;
	v57 =	vpop (erf);
	(erf) = vrcp.f32 v58  }
0x1f2: {  	v1 =	vsub.f32 v1, v4;
	v4 =	vld.idx.msk [tilespmem:v50+s11+$0x0], $0xffff;
	(erf) = vrcp.f32 v10;
	v10 =	vpop (erf)  }
0x1f3: {  	v6 =	vsub.f32 v7, v6;
	v5 =	vld.idx.msk [tilespmem:v5+s11+$0x0], $0xffff;
	(erf) = vrcp.f32 v54;
	v7 =	vpop (erf)  }
0x1f4: {  	v10 =	vmul.f32 v10, v1;
	v54 =	vld.idx.msk [tilespmem:v47+s11+$0x0], $0xffff;
	(erf) = vrcp.f32 v55;
	v55 =	vpop (erf)  }
0x1f5: {  	v56 =	vsub.f32 v56, v59;
	v8 =	vld.idx.msk [tilespmem:v8+s11+$0x0], $0xffff;
	v58 =	vmul.f32 v55, v6;
	v6 =	vmul.f32 v7, v6;
	v7 =	vpop (erf)  }
0x1f6: {  	[tilespmem:v49+s28+$0x0] =	vst.idx.add.f32.msk $0xffff, v10;
	(erf) = vrcp.f32 v3;
	v3 =	vpop (erf)  }
0x1f7: {  	v2 =	vsub.f32 v9, v2;
	v59 =	vmul.f32 v3, v56;
	[tilespmem:v51+s28+$0x0] =	vst.idx.add.f32.msk $0xffff, v58;
	v9 =	vpop (erf)  }
0x1f8: {  	v10 =	vld.idx.msk [tilespmem:v48+s11+$0x0], $0xffff;
	v9 =	vmul.f32 v9, v56;
	v55 =	vpop (erf)  }
0x1f9: {  	v56 =	vsub.f32 v4, v5;
	v55 =	vmul.f32 v55, v2;
	[tilespmem:v52+s28+$0x0] =	vst.idx.add.f32.msk $0xffff, v59;
	v3 =	vpop (erf)  }
0x1fa: {  	v2 =	vmul.f32 v7, v2;
	[tilespmem:v52+s29+$0x0] =	vst.idx.add.f32.msk $0xffff, v9;
	v7 =	vpop (erf)  }
0x1fb: {  	v3 =	vmul.f32 v3, v56;
	v7 =	vmul.f32 v7, v56;
	[tilespmem:v52+s2+$0x0] =	vst.idx.add.f32.msk $0xffff, v46;
	v4 =	vpop (erf)  }
0x1fc: {  	[tilespmem:v62+s28+$0x0] =	vst.idx.add.f32.msk $0xffff, v55;
	v5 =	vpop (erf)  }
0x1fd: {  	v8 =	vsub.f32 v54, v8;
	[tilespmem:v51+s29+$0x0] =	vst.idx.add.f32.msk $0xffff, v6;
	v6 =	vpop (erf)  }
0x1fe: {  	v9 =	vsub.f32 v10, v53;
	v1 =	vmul.f32 v6, v1;
	[tilespmem:v51+s2+$0x0] =	vst.idx.add.f32.msk $0xffff, v46  }
.Ltmp4:
0x1ff: {  	v52 =	vmul.f32 v5, v8;
	v51 =	vmul.f32 v4, v8;
	[tilespmem:v62+s29+$0x0] =	vst.idx.add.f32.msk $0xffff, v2;
	v2 =	vpop (erf);
	(pc) =	sbr.rel @p3 .LBB2_7-.Ltmp4, $4  }
0x200: {  	v53 =	vmul.f32 v57, v9;
	v54 =	vmul.f32 v2, v9;
	[tilespmem:v62+s2+$0x0] =	vst.idx.add.f32.msk $0xffff, v46  }
0x201: {  	[tilespmem:v50+s28+$0x0] =	vst.idx.add.f32.msk $0xffff, v7  }
0x202: {  	[tilespmem:v49+s29+$0x0] =	vst.idx.add.f32.msk $0xffff, v1  }
0x203: {  	[tilespmem:v50+s29+$0x0] =	vst.idx.add.f32.msk $0xffff, v3  }
0x204: {  	_ =	sdelay $0x3  }
0x205: {  	[tilespmem:v50+s2+$0x0] =	vst.idx.add.f32.msk $0xffff, v46  }
0x206: {  	[tilespmem:v47+s28+$0x0] =	vst.idx.add.f32.msk $0xffff, v52  }
0x207: {  	[tilespmem:v49+s2+$0x0] =	vst.idx.add.f32.msk $0xffff, v46  }
.Ltmp5:
0x208: {  	[tilespmem:v48+s28+$0x0] =	vst.idx.add.f32.msk $0xffff, v54;
	(pc) =	sbr.rel @p2 .LBB2_10-.Ltmp5, $4  }
0x209: {  	[tilespmem:v48+s29+$0x0] =	vst.idx.add.f32.msk $0xffff, v53  }
0x20a: {  	[tilespmem:v47+s29+$0x0] =	vst.idx.add.f32.msk $0xffff, v51  }
0x20b: {  	[tilespmem:v48+s2+$0x0] =	vst.idx.add.f32.msk $0xffff, v46  }
0x20c: {  	[tilespmem:v47+s2+$0x0] =	vst.idx.add.f32.msk $0xffff, v46  }
0x20d: {  	s13 =	smul.u32 $0xD00, s16;
	_ =	sdelay $0x1  }
0x20e: {  	s13 =	sadd.s32 s13, s20  }
.Ltmp6:
0x20f: {  	s17 =	sshrl.u32 s13, $0x2;
	(pc) =	sbr.rel .LBB2_4-.Ltmp6, $4  }
0x210: {  	s13 =	sshrl.u32 s13, $0x1;
	s17 =	sadd.s32 s3, s17  }
0x211: {  	[tilespmem:s9], [sflag:$0x3] =	stream.linear.gather [hbm4b:s17+s11], $0xD00, $0x38;
	[tilespmem:$0xFC80] =	vst v63  }
0x212: {  	s16 =	sadd.s32 $0x1, s16;
	s13 =	sadd.s32 s4, s13  }
0x213: {  	[tilespmem:s21], [sflag:$0x3] =	stream.linear.gather [hbm4b:s13+s11], $0x1A00, $0x38;
	[tilespmem:$0xFC80] =	vst v63  }
.LBB2_10:
.Ltmp7:
0x214: {  	(pc) =	sbr.rel @p1 .LBB2_14-.Ltmp7, $1  }
0x215: {  	_ =	sdelay $0x3  }
0x216: {  	s13 =	rddreg [dreg:$0x11];
	s16 =	simm.s32 $0x2E80  }
0x217: {  	[tilespmem:s16], [sflag:$0x4] =	stream.linear.gather [hbm4b:s13+s11], $0x400, $0x38;
	[tilespmem:$0xFC80] =	vst v63  }
0x218: {  	_ =	swait.ge [sflag:s31], $0x400  }
0x219: {  	[sflag:s31] =	ssyncset.done $0x0  }
0x21a: {  	s22 =	simm.s32 $0x4880;
	s18 =	rddreg [dreg:$0x14];
	[sflag:s31] =	ssyncadd.s32 $0xFFFFFC00  }
0x21b: {  	[tilespmem:s22], [sflag:$0x4] =	stream.linear.gather [hbm4b:s18+s11], $0x800, $0x38;
	[tilespmem:$0xFC80] =	vst v63  }
0x21c: {  	_ =	swait.ge [sflag:s31], $0x800  }
0x21d: {  	[sflag:s31] =	ssyncset.done $0x0  }
0x21e: {  	s16 =	simm.s32 $0x2F00;
	[sflag:s31] =	ssyncadd.s32 $0xFFFFF800  }
0x21f: {  	s17 =	simm.s32 $0x4900;
	v1 =	vld [tilespmem:s16+$0x70]  }
0x220: {  	v2 =	vld [tilespmem:s17+$0x0]  }
0x221: {  	v3 =	vld [tilespmem:s17+$0xFFFFFF80]  }
0x222: {  	v4 =	vld [tilespmem:s16+$0xFFFFFF80]  }
0x223: {  	v5 =	vld [tilespmem:s16+$0x50]  }
0x224: {  	v6 =	vld [tilespmem:s17+$0x60]  }
0x225: {  	v7 =	vld [tilespmem:s16+$0xFFFFFFE0]  }
0x226: {  	v8 =	vld [tilespmem:s16+$0x60]  }
0x227: {  	v9 =	vld [tilespmem:s17+$0xFFFFFFA0]  }
0x228: {  	v10 =	vld [tilespmem:s17+$0x70]  }
0x229: {  	v49 =	vld [tilespmem:s17+$0xFFFFFFF0]  }
0x22a: {  	v50 =	vld [tilespmem:s16+$0xFFFFFFF0]  }
0x22b: {  	v51 =	vld [tilespmem:s17+$0x10]  }
0x22c: {  	v52 =	vld [tilespmem:s17+$0xFFFFFF90]  }
0x22d: {  	v48 =	vld [tilespmem:s16+$0x0]  }
0x22e: {  	v53 =	vld [tilespmem:s17+$0x20]  }
0x22f: {  	v47 =	vld [tilespmem:s16+$0x10]  }
0x230: {  	v54 =	vld [tilespmem:s17+$0xFFFFFFE0]  }
0x231: {  	v56 =	vld [tilespmem:s16+$0xFFFFFF90]  }
0x232: {  	v57 =	vld [tilespmem:s17+$0x30]  }
0x233: {  	v58 =	vld [tilespmem:s17+$0xFFFFFFB0]  }
0x234: {  	v59 =	vld [tilespmem:s17+$0x40]  }
0x235: {  	v61 =	vld [tilespmem:s17+$0x50];
	(erf) = vrcp.f32 v49  }
0x236: {  	v63 =	vld [tilespmem:s17+$0xFFFFFFD0];
	(erf) = vrcp.f32 v10  }
0x237: {  	v55 =	vld.idx.msk [tilespmem:v1+s11+$0x0], $0xffff  }
0x238: {  	v10 =	vld.idx.msk [tilespmem:v50+s11+$0x0], $0xffff  }
0x239: {  	v49 =	vld [tilespmem:s16+$0x20]  }
0x23a: {  	v4 =	vld.idx.msk [tilespmem:v4+s11+$0x0], $0xffff  }
0x23b: {  	v50 =	vld [tilespmem:s16+$0xFFFFFFA0]  }
0x23c: {  	v7 =	vld.idx.msk [tilespmem:v7+s11+$0x0], $0xffff  }
0x23d: {  	v10 =	vsub.f32 v55, v10;
	v55 =	vld [tilespmem:s17+$0xFFFFFFC0]  }
0x23e: {  	v60 =	vpop (erf);
	(erf) = vrcp.f32 v2;
	v2 =	vld [tilespmem:s16+$0xFFFFFFC0]  }
0x23f: {  	v62 =	vpop (erf);
	(erf) = vrcp.f32 v9;
	v9 =	vld.idx.msk [tilespmem:v8+s11+$0x0], $0xffff  }
0x240: {  	v60 =	vmul.f32 v60, v10;
	v10 =	vmul.f32 v62, v10;
	v62 =	vld [tilespmem:s16+$0x40]  }
0x241: {  	(erf) = vrcp.f32 v6;
	v6 =	vld [tilespmem:s16+$0xFFFFFFB0]  }
0x242: {  	[tilespmem:v1+s28+$0x0] =	vst.idx.add.f32.msk $0xffff, v60  }
0x243: {  	v60 =	vld [tilespmem:s16+$0xFFFFFFD0]  }
0x244: {  	[tilespmem:v1+s29+$0x0] =	vst.idx.add.f32.msk $0xffff, v10  }
0x245: {  	v10 =	vld.idx.msk [tilespmem:v50+s11+$0x0], $0xffff  }
0x246: {  	(erf) = vrcp.f32 v54;
	v50 =	vld [tilespmem:s16+$0x30]  }
0x247: {  	[tilespmem:v1+s2+$0x0] =	vst.idx.add.f32.msk $0xffff, v46  }
0x248: {  	(erf) = vrcp.f32 v59;
	v1 =	vld.idx.msk [tilespmem:v49+s11+$0x0], $0xffff  }
0x249: {  	v54 =	vld.idx.msk [tilespmem:v5+s11+$0x0], $0xffff;
	(erf) = vrcp.f32 v63  }
0x24a: {  	(erf) = vrcp.f32 v61;
	v2 =	vld.idx.msk [tilespmem:v2+s11+$0x0], $0xffff  }
0x24b: {  	(erf) = vrcp.f32 v55;
	v55 =	vld.idx.msk [tilespmem:v62+s11+$0x0], $0xffff  }
0x24c: {  	v59 =	vld.idx.msk [tilespmem:v60+s11+$0x0], $0xffff;
	v60 =	vpop (erf)  }
0x24d: {  	v1 =	vsub.f32 v1, v10;
	v6 =	vld.idx.msk [tilespmem:v6+s11+$0x0], $0xffff;
	(erf) = vrcp.f32 v57;
	v63 =	vpop (erf)  }
0x24e: {  	v7 =	vsub.f32 v9, v7;
	v10 =	vld.idx.msk [tilespmem:v50+s11+$0x0], $0xffff;
	(erf) = vrcp.f32 v58;
	v9 =	vpop (erf)  }
0x24f: {  	(erf) = vrcp.f32 v51;
	v51 =	vld.idx.msk [tilespmem:v47+s11+$0x0], $0xffff;
	v57 =	vmul.f32 v63, v1;
	v61 =	vpop (erf)  }
0x250: {  	(erf) = vrcp.f32 v52;
	v52 =	vld.idx.msk [tilespmem:v56+s11+$0x0], $0xffff;
	v63 =	vmul.f32 v61, v7  }
0x251: {  	v58 =	vpop (erf);
	(erf) = vrcp.f32 v53;
	[tilespmem:v49+s28+$0x0] =	vst.idx.add.f32.msk $0xffff, v57  }
0x252: {  	v57 =	vld.idx.msk [tilespmem:v48+s11+$0x0], $0xffff;
	v7 =	vmul.f32 v9, v7;
	v54 =	vsub.f32 v54, v59  }
0x253: {  	v61 =	vpop (erf);
	[tilespmem:v8+s28+$0x0] =	vst.idx.add.f32.msk $0xffff, v63  }
0x254: {  	v2 =	vsub.f32 v55, v2;
	(erf) = vrcp.f32 v3;
	v53 =	vmul.f32 v61, v54;
	[tilespmem:v8+s29+$0x0] =	vst.idx.add.f32.msk $0xffff, v7;
	v63 =	vpop (erf)  }
0x255: {  	[tilespmem:v8+s2+$0x0] =	vst.idx.add.f32.msk $0xffff, v46;
	v54 =	vmul.f32 v63, v54;
	v3 =	vpop (erf)  }
0x256: {  	[tilespmem:v5+s28+$0x0] =	vst.idx.add.f32.msk $0xffff, v53;
	v3 =	vmul.f32 v3, v2;
	v9 =	vpop (erf)  }
0x257: {  	v2 =	vmul.f32 v58, v2;
	[tilespmem:v5+s29+$0x0] =	vst.idx.add.f32.msk $0xffff, v54;
	v59 =	vpop (erf)  }
0x258: {  	[tilespmem:v62+s28+$0x0] =	vst.idx.add.f32.msk $0xffff, v3;
	v3 =	vsub.f32 v10, v6;
	v61 =	vpop (erf)  }
0x259: {  	v63 =	vpop (erf);
	[tilespmem:v62+s29+$0x0] =	vst.idx.add.f32.msk $0xffff, v2;
	v2 =	vsub.f32 v51, v52  }
0x25a: {  	[tilespmem:v5+s2+$0x0] =	vst.idx.add.f32.msk $0xffff, v46;
	v5 =	vmul.f32 v59, v3;
	v8 =	vpop (erf)  }
0x25b: {  	[tilespmem:v62+s2+$0x0] =	vst.idx.add.f32.msk $0xffff, v46;
	v1 =	vmul.f32 v8, v1  }
0x25c: {  	v4 =	vsub.f32 v57, v4;
	v3 =	vmul.f32 v9, v3;
	[tilespmem:v50+s28+$0x0] =	vst.idx.add.f32.msk $0xffff, v5  }
0x25d: {  	v52 =	vmul.f32 v63, v2;
	v51 =	vmul.f32 v61, v2;
	v2 =	vpop (erf);
	[tilespmem:v49+s29+$0x0] =	vst.idx.add.f32.msk $0xffff, v1  }
0x25e: {  	s13 =	simm.s32 $0x0;
	v53 =	vmul.f32 v60, v4;
	[tilespmem:v50+s29+$0x0] =	vst.idx.add.f32.msk $0xffff, v3;
	v54 =	vmul.f32 v2, v4  }
.LBB2_12:
0x25f: {  	s13 =	sadd.s32 $0x8, s13;
	[tilespmem:v50+s2+$0x0] =	vst.idx.add.f32.msk $0xffff, v46;
	s17 =	sadd.s32 $0x200, s17;
	s16 =	sadd.s32 $0x100, s16  }
0x260: {  	p2 =	slt.u32 s13, $0x18;
	[tilespmem:v47+s28+$0x0] =	vst.idx.add.f32.msk $0xffff, v52  }
0x261: {  	[tilespmem:v49+s2+$0x0] =	vst.idx.add.f32.msk $0xffff, v46  }
0x262: {  	[tilespmem:v48+s28+$0x0] =	vst.idx.add.f32.msk $0xffff, v54  }
0x263: {  	[tilespmem:v48+s29+$0x0] =	vst.idx.add.f32.msk $0xffff, v53  }
0x264: {  	[tilespmem:v48+s2+$0x0] =	vst.idx.add.f32.msk $0xffff, v46  }
0x265: {  	[tilespmem:v47+s29+$0x0] =	vst.idx.add.f32.msk $0xffff, v51  }
0x266: {  	[tilespmem:v47+s2+$0x0] =	vst.idx.add.f32.msk $0xffff, v46  }
0x267: {  	v1 =	vld [tilespmem:s16+$0x70]  }
0x268: {  	v2 =	vld [tilespmem:s17+$0x0]  }
0x269: {  	v3 =	vld [tilespmem:s17+$0xFFFFFF80]  }
0x26a: {  	v4 =	vld [tilespmem:s16+$0xFFFFFF80]  }
0x26b: {  	v52 =	vld [tilespmem:s16+$0x50]  }
0x26c: {  	v5 =	vld [tilespmem:s17+$0x60]  }
0x26d: {  	v6 =	vld [tilespmem:s16+$0xFFFFFFE0]  }
0x26e: {  	v51 =	vld [tilespmem:s16+$0x60]  }
0x26f: {  	v7 =	vld [tilespmem:s17+$0xFFFFFFA0]  }
0x270: {  	v8 =	vld [tilespmem:s17+$0x70]  }
0x271: {  	v9 =	vld [tilespmem:s17+$0xFFFFFFF0]  }
0x272: {  	v53 =	vld.idx.msk [tilespmem:v4+s11+$0x0], $0xffff  }
0x273: {  	v4 =	vld [tilespmem:s16+$0xFFFFFFF0]  }
0x274: {  	v10 =	vld [tilespmem:s17+$0x10]  }
0x275: {  	v54 =	vld [tilespmem:s17+$0xFFFFFF90]  }
0x276: {  	v48 =	vld [tilespmem:s16+$0x0]  }
0x277: {  	v55 =	vld [tilespmem:s17+$0x20]  }
0x278: {  	v47 =	vld [tilespmem:s16+$0x10]  }
0x279: {  	v56 =	vld [tilespmem:s17+$0xFFFFFFE0];
	(erf) = vrcp.f32 v9  }
0x27a: {  	v9 =	vld.idx.msk [tilespmem:v1+s11+$0x0], $0xffff;
	(erf) = vrcp.f32 v8  }
0x27b: {  	v4 =	vld.idx.msk [tilespmem:v4+s11+$0x0], $0xffff  }
0x27c: {  	v8 =	vld [tilespmem:s16+$0xFFFFFF90]  }
0x27d: {  	v49 =	vld [tilespmem:s16+$0x20]  }
0x27e: {  	v50 =	vld [tilespmem:s16+$0xFFFFFFA0]  }
0x27f: {  	v57 =	vld [tilespmem:s17+$0x30]  }
0x280: {  	v58 =	vld [tilespmem:s17+$0xFFFFFFB0]  }
0x281: {  	v4 =	vsub.f32 v9, v4;
	v59 =	vld [tilespmem:s17+$0x40]  }
0x282: {  	v9 =	vld [tilespmem:s17+$0xFFFFFFC0];
	v60 =	vpop (erf)  }
0x283: {  	v61 =	vld [tilespmem:s17+$0x50];
	v60 =	vmul.f32 v60, v4;
	v62 =	vpop (erf)  }
0x284: {  	v63 =	vld [tilespmem:s17+$0xFFFFFFD0];
	v4 =	vmul.f32 v62, v4  }
0x285: {  	[tilespmem:v1+s28+$0x0] =	vst.idx.add.f32.msk $0xffff, v60  }
0x286: {  	[tilespmem:v1+s29+$0x0] =	vst.idx.add.f32.msk $0xffff, v4  }
0x287: {  	[tilespmem:v1+s2+$0x0] =	vst.idx.add.f32.msk $0xffff, v46  }
0x288: {  	v1 =	vld.idx.msk [tilespmem:v49+s11+$0x0], $0xffff  }
0x289: {  	v4 =	vld.idx.msk [tilespmem:v50+s11+$0x0], $0xffff  }
0x28a: {  	v60 =	vld [tilespmem:s16+$0xFFFFFFD0]  }
0x28b: {  	v62 =	vld [tilespmem:s16+$0x40];
	(erf) = vrcp.f32 v2  }
0x28c: {  	v2 =	vld [tilespmem:s16+$0xFFFFFFC0];
	(erf) = vrcp.f32 v7  }
0x28d: {  	v50 =	vld [tilespmem:s16+$0x30];
	(erf) = vrcp.f32 v5  }
0x28e: {  	v5 =	vld [tilespmem:s16+$0xFFFFFFB0];
	(erf) = vrcp.f32 v56  }
0x28f: {  	v7 =	vld.idx.msk [tilespmem:v51+s11+$0x0], $0xffff;
	(erf) = vrcp.f32 v59  }
0x290: {  	v6 =	vld.idx.msk [tilespmem:v6+s11+$0x0], $0xffff;
	(erf) = vrcp.f32 v63  }
0x291: {  	v56 =	vld.idx.msk [tilespmem:v52+s11+$0x0], $0xffff;
	(erf) = vrcp.f32 v61  }
0x292: {  	v59 =	vld.idx.msk [tilespmem:v60+s11+$0x0], $0xffff;
	(erf) = vrcp.f32 v9  }
0x293: {  	v9 =	vld.idx.msk [tilespmem:v62+s11+$0x0], $0xffff;
	(erf) = vrcp.f32 v57  }
0x294: {  	v2 =	vld.idx.msk [tilespmem:v2+s11+$0x0], $0xffff;
	v57 =	vpop (erf);
	(erf) = vrcp.f32 v58  }
0x295: {  	v1 =	vsub.f32 v1, v4;
	v4 =	vld.idx.msk [tilespmem:v50+s11+$0x0], $0xffff;
	(erf) = vrcp.f32 v10;
	v10 =	vpop (erf)  }
0x296: {  	v6 =	vsub.f32 v7, v6;
	v5 =	vld.idx.msk [tilespmem:v5+s11+$0x0], $0xffff;
	(erf) = vrcp.f32 v54;
	v7 =	vpop (erf)  }
0x297: {  	v10 =	vmul.f32 v10, v1;
	v54 =	vld.idx.msk [tilespmem:v47+s11+$0x0], $0xffff;
	(erf) = vrcp.f32 v55;
	v55 =	vpop (erf)  }
0x298: {  	v56 =	vsub.f32 v56, v59;
	v8 =	vld.idx.msk [tilespmem:v8+s11+$0x0], $0xffff;
	v58 =	vmul.f32 v55, v6;
	v6 =	vmul.f32 v7, v6;
	v7 =	vpop (erf)  }
0x299: {  	[tilespmem:v49+s28+$0x0] =	vst.idx.add.f32.msk $0xffff, v10;
	(erf) = vrcp.f32 v3;
	v3 =	vpop (erf)  }
0x29a: {  	v2 =	vsub.f32 v9, v2;
	v59 =	vmul.f32 v3, v56;
	[tilespmem:v51+s28+$0x0] =	vst.idx.add.f32.msk $0xffff, v58;
	v9 =	vpop (erf)  }
0x29b: {  	v10 =	vld.idx.msk [tilespmem:v48+s11+$0x0], $0xffff;
	v9 =	vmul.f32 v9, v56;
	v55 =	vpop (erf)  }
0x29c: {  	v56 =	vsub.f32 v4, v5;
	v55 =	vmul.f32 v55, v2;
	[tilespmem:v52+s28+$0x0] =	vst.idx.add.f32.msk $0xffff, v59;
	v3 =	vpop (erf)  }
0x29d: {  	v2 =	vmul.f32 v7, v2;
	[tilespmem:v52+s29+$0x0] =	vst.idx.add.f32.msk $0xffff, v9;
	v7 =	vpop (erf)  }
0x29e: {  	v3 =	vmul.f32 v3, v56;
	v7 =	vmul.f32 v7, v56;
	[tilespmem:v52+s2+$0x0] =	vst.idx.add.f32.msk $0xffff, v46;
	v4 =	vpop (erf)  }
0x29f: {  	[tilespmem:v62+s28+$0x0] =	vst.idx.add.f32.msk $0xffff, v55;
	v5 =	vpop (erf)  }
0x2a0: {  	v8 =	vsub.f32 v54, v8;
	[tilespmem:v51+s29+$0x0] =	vst.idx.add.f32.msk $0xffff, v6;
	v6 =	vpop (erf)  }
0x2a1: {  	v9 =	vsub.f32 v10, v53;
	v1 =	vmul.f32 v6, v1;
	[tilespmem:v51+s2+$0x0] =	vst.idx.add.f32.msk $0xffff, v46  }
.Ltmp8:
0x2a2: {  	v52 =	vmul.f32 v5, v8;
	v51 =	vmul.f32 v4, v8;
	[tilespmem:v62+s29+$0x0] =	vst.idx.add.f32.msk $0xffff, v2;
	v2 =	vpop (erf);
	(pc) =	sbr.rel @p2 .LBB2_12-.Ltmp8, $4  }
0x2a3: {  	v53 =	vmul.f32 v57, v9;
	v54 =	vmul.f32 v2, v9;
	[tilespmem:v62+s2+$0x0] =	vst.idx.add.f32.msk $0xffff, v46  }
0x2a4: {  	[tilespmem:v50+s28+$0x0] =	vst.idx.add.f32.msk $0xffff, v7  }
0x2a5: {  	[tilespmem:v49+s29+$0x0] =	vst.idx.add.f32.msk $0xffff, v1  }
0x2a6: {  	[tilespmem:v50+s29+$0x0] =	vst.idx.add.f32.msk $0xffff, v3  }
0x2a7: {  	_ =	sdelay $0x3  }
0x2a8: {  	[tilespmem:v50+s2+$0x0] =	vst.idx.add.f32.msk $0xffff, v46  }
0x2a9: {  	[tilespmem:v47+s28+$0x0] =	vst.idx.add.f32.msk $0xffff, v52  }
0x2aa: {  	[tilespmem:v49+s2+$0x0] =	vst.idx.add.f32.msk $0xffff, v46  }
.Ltmp9:
0x2ab: {  	[tilespmem:v48+s28+$0x0] =	vst.idx.add.f32.msk $0xffff, v54;
	(pc) =	sbr.rel .LBB2_14-.Ltmp9, $4  }
0x2ac: {  	[tilespmem:v48+s29+$0x0] =	vst.idx.add.f32.msk $0xffff, v53  }
0x2ad: {  	[tilespmem:v47+s29+$0x0] =	vst.idx.add.f32.msk $0xffff, v51  }
0x2ae: {  	[tilespmem:v48+s2+$0x0] =	vst.idx.add.f32.msk $0xffff, v46  }
0x2af: {  	[tilespmem:v47+s2+$0x0] =	vst.idx.add.f32.msk $0xffff, v46  }
.LBB2_15:
0x2b0: {  	_ =	sfence.sel $0x180000  }
0x2b1: {  	[bflag:$0x0] =	sbarrier.arrive $0xFFFF  }
0x2b2: {  	_ =	strace $0x90000047  }
0x2b3: {  	[bflag:$0x2] =	sbarrier.arrive $0xFFFF  }
0x2b4: {  	s0 =	rddreg [dreg:$0x8]  }
0x2b5: {  	s0 =	sadd.s32 @!p0 $0x100000, s0  }
0x2b6: {  	[sflag:s0] =	ssyncadd.tile.s32 @!p0 $0x1;
	_ =	shalt  }
.Lfunc_end2:
_tile_overlayer_lowered:
.L_overlay_start_2:
0x2b7: {  	(tag) =	ssettag $0x2  }
0x2b8: {  	s0 =	rddreg [dreg:$0x0];
	s2 =	stileid.u32  }
0x2b9: {  	s1 =	rddreg [dreg:$0x1];
	p0 =	sne.s32 s2, $0x0  }
0x2ba: {  	s3 =	rddreg [dreg:$0x2];
	[bflag:$0x3] =	sbarrier.arrive $0xFFFF;
	s2 =	simm.s32 @!p0 $0x1C04  }
0x2bb: {  	[timem:s3], [sflag:s2] =	dma.local @!p0 [hbm:s0], s1  }
0x2bc: {  	s0 =	simm.s32 @!p0 $0x4  }
0x2bd: {  	_ =	swait.ge @!p0 [sflag:s0], s1  }
0x2be: {  	s1 =	ssub.s32 @!p0 $0x0, s1;
	[sflag:s0] =	ssyncset.done @!p0 $0x0  }
0x2bf: {  	[sflag:s0] =	ssyncadd.s32 @!p0 s1  }
0x2c0: {  	[bflag:$0x3] =	sbarrier.arrive $0xFFFF  }
0x2c1: {  	_ =	shalt  }

</sc_bundles>
